<compile_context>
chip_gen: v7x
topology: tpu7x:2x2x1
jax: 0.10.2.dev20260603
libtpu: 0.0.44.dev20260713+nightly
codegen_flags: <defaults>
</compile_context>

<pallas_src>
import jax
import jax.numpy as jnp
from jax import lax
from jax.experimental import pallas as pl
from jax.experimental.pallas import tpu as pltpu
from jax.experimental.pallas import tpu_sc as plsc

BATCH = 16384
EMB = 128
NC, NS = 2, 16
NW = NC * NS
CHUNK = 128
PIPE = 2
CB = BATCH // PIPE
B_PER_W = CB // NW
NCH = B_PER_W // CHUNK


def _make_gather_body(p):
    def _gather_body(users_hbm, items_hbm, utab_hbm, mtab_hbm,
                     uout_hbm, iout_hbm, idxu_v, idxi_v, rowsu_v, rowsi_v,
                     sem_u, sem_i, sem_out):
        wid = lax.axis_index("s") * NC + lax.axis_index("c")
        src = p * CB + wid * B_PER_W
        dst = wid * B_PER_W
        iu = pltpu.async_copy(users_hbm.at[pl.ds(src, B_PER_W)], idxu_v,
                              sem_u)
        ii = pltpu.async_copy(items_hbm.at[pl.ds(src, B_PER_W)], idxi_v,
                              sem_i)
        iu.wait()
        ii.wait()
        ucopies = [pltpu.async_copy(
            utab_hbm.at[idxu_v.at[pl.ds(j * CHUNK, CHUNK)]], rowsu_v.at[j],
            sem_u) for j in range(NCH)]
        icopies = [pltpu.async_copy(
            mtab_hbm.at[idxi_v.at[pl.ds(j * CHUNK, CHUNK)]], rowsi_v.at[j],
            sem_i) for j in range(NCH)]
        outs = []
        for j in range(NCH):
            ucopies[j].wait()
            outs.append(pltpu.async_copy(
                rowsu_v.at[j], uout_hbm.at[pl.ds(dst + j * CHUNK, CHUNK)],
                sem_out))
        for j in range(NCH):
            icopies[j].wait()
            outs.append(pltpu.async_copy(
                rowsi_v.at[j], iout_hbm.at[pl.ds(dst + j * CHUNK, CHUNK)],
                sem_out))
        for c in outs:
            c.wait()
    return _gather_body


def _sc_gather(p, users, items, user_table, movie_table):
    mesh = plsc.VectorSubcoreMesh(core_axis_name="c", subcore_axis_name="s",
                                  num_cores=NC, num_subcores=NS)
    emb = jax.ShapeDtypeStruct((CB, EMB), jnp.float32)
    run = pl.kernel(
        _make_gather_body(p),
        mesh=mesh,
        out_type=[emb, emb],
        scratch_types=[
            pltpu.VMEM((B_PER_W,), jnp.int32),
            pltpu.VMEM((B_PER_W,), jnp.int32),
            pltpu.VMEM((NCH, CHUNK, EMB), jnp.float32),
            pltpu.VMEM((NCH, CHUNK, EMB), jnp.float32),
            pltpu.SemaphoreType.DMA,
            pltpu.SemaphoreType.DMA,
            pltpu.SemaphoreType.DMA,
        ],
    )
    return run(users, items, user_table, movie_table)


def _mlp_body(u_ref, i_ref, w1a_ref, w1b_ref, b1_ref, w2_ref, b2_ref,
              wout_ref, bout_ref, out_ref):
    h = jnp.dot(u_ref[:], w1a_ref[:], preferred_element_type=jnp.float32)
    h = h + jnp.dot(i_ref[:], w1b_ref[:], preferred_element_type=jnp.float32)
    h = jnp.maximum(h + b1_ref[:], 0.0)
    h = jnp.maximum(
        jnp.dot(h, w2_ref[:], preferred_element_type=jnp.float32) + b2_ref[:],
        0.0)
    out_ref[:] = (jnp.dot(h, wout_ref[:], preferred_element_type=jnp.float32)
                  + bout_ref[:])


def _tc_mlp(u_emb, i_emb, W1, b1, W2, b2, Wout, bout, tile=4096):
    grid = (CB // tile,)
    row_spec = pl.BlockSpec((tile, EMB), lambda g: (g, 0))
    full = lambda shape: pl.BlockSpec(shape, lambda g: (0,) * len(shape))
    return pl.pallas_call(
        _mlp_body,
        grid=grid,
        in_specs=[
            row_spec, row_spec,
            pl.BlockSpec((EMB, 128), lambda g: (0, 0)),
            pl.BlockSpec((EMB, 128), lambda g: (1, 0)),
            full((1, 128)),
            full((128, 64)), full((1, 64)),
            full((64, 1)), full((1, 1)),
        ],
        out_specs=pl.BlockSpec((tile, 1), lambda g: (g, 0)),
        out_shape=jax.ShapeDtypeStruct((CB, 1), jnp.float32),
    )(u_emb, i_emb, W1, W1, b1.reshape(1, 128), W2, b2.reshape(1, 64),
      Wout, bout.reshape(1, 1))


@jax.jit
def kernel(users, items, user_table, movie_table, W1, b1, W2, b2, Wout, bout):
    embs = [_sc_gather(p, users, items, user_table, movie_table)
            for p in range(PIPE)]
    outs = [_tc_mlp(u, i, W1, b1, W2, b2, Wout, bout) for u, i in embs]
    return jnp.concatenate(outs, axis=0)

# --- scband reference (transcript-rebuilt; emitter-appended) ---
"""Pipeline reference for scband-recommender-3478923509857 (READ-ONLY COPY).

The authoritative reference and input builder live on the scoring server;
editing this copy changes nothing except your own understanding.
"""

import jax, jax.numpy as jnp
import numpy as np

N_USERS = 100000
N_MOVIES = 100000
EMB = 128  # layers[0] // 2
BATCH = 16384

def setup_inputs(seed: int = 0) -> dict:
    key = jax.random.key(seed)
    ks = jax.random.split(key, 10)
    users = jax.random.randint(ks[0], (BATCH,), 0, N_USERS, dtype=jnp.int64) if jax.config.jax_enable_x64 else jax.random.randint(ks[0], (BATCH,), 0, N_USERS, dtype=jnp.int32)
    items = jax.random.randint(ks[1], (BATCH,), 0, N_MOVIES, dtype=jnp.int32)
    users = users.astype(jnp.int32)
    user_table = jax.random.normal(ks[2], (N_USERS, EMB), dtype=jnp.float32)
    movie_table = jax.random.normal(ks[3], (N_MOVIES, EMB), dtype=jnp.float32)
    W1 = jax.random.normal(ks[4], (256, 128), dtype=jnp.float32) * 0.05
    b1 = jnp.zeros((128,), dtype=jnp.float32)
    W2 = jax.random.normal(ks[5], (128, 64), dtype=jnp.float32) * 0.05
    b2 = jnp.zeros((64,), dtype=jnp.float32)
    Wout = jax.random.normal(ks[6], (64, 1), dtype=jnp.float32) * 0.05
    bout = jnp.zeros((1,), dtype=jnp.float32)
    return {"users": users, "items": items, "user_table": user_table,
            "movie_table": movie_table, "W1": W1, "b1": b1, "W2": W2,
            "b2": b2, "Wout": Wout, "bout": bout}

def reference(users, items, user_table, movie_table, W1, b1, W2, b2, Wout, bout):
    user_embedding = jnp.take(user_table, users, axis=0)
    item_embedding = jnp.take(movie_table, items, axis=0)
    x = jnp.concatenate([user_embedding, item_embedding], axis=1)
    # fc layer 1 + relu (dropout acts as identity in eval/deterministic mode)
    x = jax.nn.relu(x @ W1 + b1)
    # fc layer 2 + relu
    x = jax.nn.relu(x @ W2 + b2)
    logit = x @ Wout + bout
    return logit

if __name__ == "__main__":
    import jax
    _d = setup_inputs()
    print(jax.jit(kernel)(*tuple(_d.values())))

</pallas_src>

<mosaic_0001>
#map = affine_map<(d0, d1) -> (0)>
#map1 = affine_map<(d0, d1) -> (0, 0)>
module attributes {stable_mosaic.version = 14 : i64} {
  func.func @_gather_body(%arg0: i32, %arg1: i32, %arg2: memref<16384xi32, #tpu.memory_space<hbm>>, %arg3: memref<16384xi32, #tpu.memory_space<hbm>>, %arg4: memref<100000x128xf32, #tpu.memory_space<hbm>>, %arg5: memref<100000x128xf32, #tpu.memory_space<hbm>>, %arg6: memref<8192x128xf32, #tpu.memory_space<hbm>>, %arg7: memref<8192x128xf32, #tpu.memory_space<hbm>>, %arg8: memref<256xi32, #tpu.memory_space<vmem>>, %arg9: memref<256xi32, #tpu.memory_space<vmem>>, %arg10: memref<2x128x128xf32, #tpu.memory_space<vmem>>, %arg11: memref<2x128x128xf32, #tpu.memory_space<vmem>>, %arg12: memref<!tpu.dma_semaphore, #tpu.memory_space<semaphore_mem>>, %arg13: memref<!tpu.dma_semaphore, #tpu.memory_space<semaphore_mem>>, %arg14: memref<!tpu.dma_semaphore, #tpu.memory_space<semaphore_mem>>) attributes {dimension_semantics = [#tpu.dimension_semantics<core_parallel>, #tpu.dimension_semantics<subcore_parallel>], iteration_bounds = array<i64: 2, 16>, scalar_prefetch = 0 : i64, scratch_operands = 7 : i64, tpu.core_type = #tpu.core_type<sc_vector_subcore>, window_params = [{transform_indices = #map}, {transform_indices = #map}, {transform_indices = #map1}, {transform_indices = #map1}, {transform_indices = #map1}, {transform_indices = #map1}]} {
    %mul3A = arith.constant 2 : i32
    %mul3A_0 = arith.muli %arg1, %mul3A : i32
    %add3A = arith.addi %mul3A_0, %arg0 : i32
    %mul3A_1 = arith.constant 256 : i32
    %mul3A_2 = arith.muli %add3A, %mul3A_1 : i32
    %add3A_3 = arith.constant 8192 : i32
    %add3A_4 = arith.addi %add3A_3, %mul3A_2 : i32
    %mul3A_5 = arith.constant 256 : i32
    %mul3A_6 = arith.muli %add3A, %mul3A_5 : i32
    %dma_start3A = tpu.memref_slice %arg2[%add3A_4] : memref<16384xi32, #tpu.memory_space<hbm>> -> memref<256xi32, #tpu.memory_space<hbm>>
    %dma_start3A_7 = tpu.memref_slice %arg2[%add3A_4] : memref<16384xi32, #tpu.memory_space<hbm>> -> memref<256xi32, #tpu.memory_space<hbm>>
    tpu.enqueue_dma source(%dma_start3A_7 : memref<256xi32, #tpu.memory_space<hbm>>) target(%arg8 : memref<256xi32, #tpu.memory_space<vmem>>) target_semaphore(%arg12 : memref<!tpu.dma_semaphore, #tpu.memory_space<semaphore_mem>>)
    %dma_start3A_8 = tpu.memref_slice %arg3[%add3A_4] : memref<16384xi32, #tpu.memory_space<hbm>> -> memref<256xi32, #tpu.memory_space<hbm>>
    %dma_start3A_9 = tpu.memref_slice %arg3[%add3A_4] : memref<16384xi32, #tpu.memory_space<hbm>> -> memref<256xi32, #tpu.memory_space<hbm>>
    tpu.enqueue_dma source(%dma_start3A_9 : memref<256xi32, #tpu.memory_space<hbm>>) target(%arg9 : memref<256xi32, #tpu.memory_space<vmem>>) target_semaphore(%arg13 : memref<!tpu.dma_semaphore, #tpu.memory_space<semaphore_mem>>)
    %dma_wait3A = tpu.memref_slice %arg2[%add3A_4] : memref<16384xi32, #tpu.memory_space<hbm>> -> memref<256xi32, #tpu.memory_space<hbm>>
    %dma_wait3A_10 = tpu.memref_slice %arg2[%add3A_4] : memref<16384xi32, #tpu.memory_space<hbm>> -> memref<256xi32, #tpu.memory_space<hbm>>
    tpu.wait_dma2 semaphore(%arg12 : memref<!tpu.dma_semaphore, #tpu.memory_space<semaphore_mem>>) src(%dma_wait3A_10 : memref<256xi32, #tpu.memory_space<hbm>>) dst(%arg8 : memref<256xi32, #tpu.memory_space<vmem>>)
    %dma_wait3A_11 = tpu.memref_slice %arg3[%add3A_4] : memref<16384xi32, #tpu.memory_space<hbm>> -> memref<256xi32, #tpu.memory_space<hbm>>
    %dma_wait3A_12 = tpu.memref_slice %arg3[%add3A_4] : memref<16384xi32, #tpu.memory_space<hbm>> -> memref<256xi32, #tpu.memory_space<hbm>>
    tpu.wait_dma2 semaphore(%arg13 : memref<!tpu.dma_semaphore, #tpu.memory_space<semaphore_mem>>) src(%dma_wait3A_12 : memref<256xi32, #tpu.memory_space<hbm>>) dst(%arg9 : memref<256xi32, #tpu.memory_space<vmem>>)
    %dma_start3A_13 = arith.constant 0 : i32
    %dma_start3A_14 = arith.constant 0 : i32
    %dma_start3A_15 = arith.constant 0 : i32
    %dma_start3A_16 = tpu.memref_slice %arg10[%dma_start3A_13, %dma_start3A_14, %dma_start3A_15] : memref<2x128x128xf32, #tpu.memory_space<vmem>> -> memref<1x128x128xf32, #tpu.memory_space<vmem>>
    %dma_start3A_17 = tpu.memref_squeeze %dma_start3A_16 : memref<1x128x128xf32, #tpu.memory_space<vmem>> -> memref<128x128xf32, #tpu.memory_space<vmem>>
    %dma_start3A_18 = arith.constant 0 : i32
    %dma_start3A_19 = tpu.memref_slice %arg8[%dma_start3A_18] : memref<256xi32, #tpu.memory_space<vmem>> -> memref<128xi32, #tpu.memory_space<vmem>>
    %dma_start3A_20 = arith.constant 0 : i32
    %dma_start3A_21 = arith.constant 0 : i32
    %dma_start3A_22 = tpu.memref_slice %arg4[%dma_start3A_20, %dma_start3A_21] : memref<100000x128xf32, #tpu.memory_space<hbm>> -> memref<100000x128xf32, #tpu.memory_space<hbm>>
    tpu.enqueue_indirect_dma source(%dma_start3A_22 : memref<100000x128xf32, #tpu.memory_space<hbm>>) target(%dma_start3A_17 : memref<128x128xf32, #tpu.memory_space<vmem>>) offsets(%dma_start3A_19 : memref<128xi32, #tpu.memory_space<vmem>>) semaphore(%arg12 : memref<!tpu.dma_semaphore, #tpu.memory_space<semaphore_mem>>)
    %dma_start3A_23 = arith.constant 1 : i32
    %dma_start3A_24 = arith.constant 0 : i32
    %dma_start3A_25 = arith.constant 0 : i32
    %dma_start3A_26 = tpu.memref_slice %arg10[%dma_start3A_23, %dma_start3A_24, %dma_start3A_25] : memref<2x128x128xf32, #tpu.memory_space<vmem>> -> memref<1x128x128xf32, #tpu.memory_space<vmem>>
    %dma_start3A_27 = tpu.memref_squeeze %dma_start3A_26 : memref<1x128x128xf32, #tpu.memory_space<vmem>> -> memref<128x128xf32, #tpu.memory_space<vmem>>
    %dma_start3A_28 = arith.constant 128 : i32
    %dma_start3A_29 = tpu.memref_slice %arg8[%dma_start3A_28] : memref<256xi32, #tpu.memory_space<vmem>> -> memref<128xi32, #tpu.memory_space<vmem>>
    %dma_start3A_30 = arith.constant 0 : i32
    %dma_start3A_31 = arith.constant 0 : i32
    %dma_start3A_32 = tpu.memref_slice %arg4[%dma_start3A_30, %dma_start3A_31] : memref<100000x128xf32, #tpu.memory_space<hbm>> -> memref<100000x128xf32, #tpu.memory_space<hbm>>
    tpu.enqueue_indirect_dma source(%dma_start3A_32 : memref<100000x128xf32, #tpu.memory_space<hbm>>) target(%dma_start3A_27 : memref<128x128xf32, #tpu.memory_space<vmem>>) offsets(%dma_start3A_29 : memref<128xi32, #tpu.memory_space<vmem>>) semaphore(%arg12 : memref<!tpu.dma_semaphore, #tpu.memory_space<semaphore_mem>>)
    %dma_start3A_33 = arith.constant 0 : i32
    %dma_start3A_34 = arith.constant 0 : i32
    %dma_start3A_35 = arith.constant 0 : i32
    %dma_start3A_36 = tpu.memref_slice %arg11[%dma_start3A_33, %dma_start3A_34, %dma_start3A_35] : memref<2x128x128xf32, #tpu.memory_space<vmem>> -> memref<1x128x128xf32, #tpu.memory_space<vmem>>
    %dma_start3A_37 = tpu.memref_squeeze %dma_start3A_36 : memref<1x128x128xf32, #tpu.memory_space<vmem>> -> memref<128x128xf32, #tpu.memory_space<vmem>>
    %dma_start3A_38 = arith.constant 0 : i32
    %dma_start3A_39 = tpu.memref_slice %arg9[%dma_start3A_38] : memref<256xi32, #tpu.memory_space<vmem>> -> memref<128xi32, #tpu.memory_space<vmem>>
    %dma_start3A_40 = arith.constant 0 : i32
    %dma_start3A_41 = arith.constant 0 : i32
    %dma_start3A_42 = tpu.memref_slice %arg5[%dma_start3A_40, %dma_start3A_41] : memref<100000x128xf32, #tpu.memory_space<hbm>> -> memref<100000x128xf32, #tpu.memory_space<hbm>>
    tpu.enqueue_indirect_dma source(%dma_start3A_42 : memref<100000x128xf32, #tpu.memory_space<hbm>>) target(%dma_start3A_37 : memref<128x128xf32, #tpu.memory_space<vmem>>) offsets(%dma_start3A_39 : memref<128xi32, #tpu.memory_space<vmem>>) semaphore(%arg13 : memref<!tpu.dma_semaphore, #tpu.memory_space<semaphore_mem>>)
    %dma_start3A_43 = arith.constant 1 : i32
    %dma_start3A_44 = arith.constant 0 : i32
    %dma_start3A_45 = arith.constant 0 : i32
    %dma_start3A_46 = tpu.memref_slice %arg11[%dma_start3A_43, %dma_start3A_44, %dma_start3A_45] : memref<2x128x128xf32, #tpu.memory_space<vmem>> -> memref<1x128x128xf32, #tpu.memory_space<vmem>>
    %dma_start3A_47 = tpu.memref_squeeze %dma_start3A_46 : memref<1x128x128xf32, #tpu.memory_space<vmem>> -> memref<128x128xf32, #tpu.memory_space<vmem>>
    %dma_start3A_48 = arith.constant 128 : i32
    %dma_start3A_49 = tpu.memref_slice %arg9[%dma_start3A_48] : memref<256xi32, #tpu.memory_space<vmem>> -> memref<128xi32, #tpu.memory_space<vmem>>
    %dma_start3A_50 = arith.constant 0 : i32
    %dma_start3A_51 = arith.constant 0 : i32
    %dma_start3A_52 = tpu.memref_slice %arg5[%dma_start3A_50, %dma_start3A_51] : memref<100000x128xf32, #tpu.memory_space<hbm>> -> memref<100000x128xf32, #tpu.memory_space<hbm>>
    tpu.enqueue_indirect_dma source(%dma_start3A_52 : memref<100000x128xf32, #tpu.memory_space<hbm>>) target(%dma_start3A_47 : memref<128x128xf32, #tpu.memory_space<vmem>>) offsets(%dma_start3A_49 : memref<128xi32, #tpu.memory_space<vmem>>) semaphore(%arg13 : memref<!tpu.dma_semaphore, #tpu.memory_space<semaphore_mem>>)
    %dma_wait3A_53 = arith.constant 0 : i32
    %dma_wait3A_54 = arith.constant 0 : i32
    %dma_wait3A_55 = arith.constant 0 : i32
    %dma_wait3A_56 = tpu.memref_slice %arg10[%dma_wait3A_53, %dma_wait3A_54, %dma_wait3A_55] : memref<2x128x128xf32, #tpu.memory_space<vmem>> -> memref<1x128x128xf32, #tpu.memory_space<vmem>>
    %dma_wait3A_57 = tpu.memref_squeeze %dma_wait3A_56 : memref<1x128x128xf32, #tpu.memory_space<vmem>> -> memref<128x128xf32, #tpu.memory_space<vmem>>
    %dma_wait3A_58 = arith.constant 0 : i32
    %dma_wait3A_59 = tpu.memref_slice %arg8[%dma_wait3A_58] : memref<256xi32, #tpu.memory_space<vmem>> -> memref<128xi32, #tpu.memory_space<vmem>>
    %dma_wait3A_60 = arith.constant 0 : i32
    %dma_wait3A_61 = arith.constant 0 : i32
    %dma_wait3A_62 = tpu.memref_slice %arg4[%dma_wait3A_60, %dma_wait3A_61] : memref<100000x128xf32, #tpu.memory_space<hbm>> -> memref<100000x128xf32, #tpu.memory_space<hbm>>
    tpu.wait_indirect_dma semaphore(%arg12 : memref<!tpu.dma_semaphore, #tpu.memory_space<semaphore_mem>>) src(%dma_wait3A_62 : memref<100000x128xf32, #tpu.memory_space<hbm>>) dst(%dma_wait3A_57 : memref<128x128xf32, #tpu.memory_space<vmem>>)
    %add3A_63 = arith.constant 0 : i32
    %add3A_64 = arith.addi %mul3A_6, %add3A_63 : i32
    %dma_start3A_65 = arith.constant 0 : i32
    %dma_start3A_66 = arith.constant 0 : i32
    %dma_start3A_67 = arith.constant 0 : i32
    %dma_start3A_68 = tpu.memref_slice %arg10[%dma_start3A_65, %dma_start3A_66, %dma_start3A_67] : memref<2x128x128xf32, #tpu.memory_space<vmem>> -> memref<1x128x128xf32, #tpu.memory_space<vmem>>
    %dma_start3A_69 = tpu.memref_squeeze %dma_start3A_68 : memref<1x128x128xf32, #tpu.memory_space<vmem>> -> memref<128x128xf32, #tpu.memory_space<vmem>>
    %dma_start3A_70 = arith.constant 0 : i32
    %dma_start3A_71 = tpu.memref_slice %arg6[%add3A_64, %dma_start3A_70] : memref<8192x128xf32, #tpu.memory_space<hbm>> -> memref<128x128xf32, #tpu.memory_space<hbm>>
    %dma_start3A_72 = arith.constant 0 : i32
    %dma_start3A_73 = tpu.memref_slice %arg6[%add3A_64, %dma_start3A_72] : memref<8192x128xf32, #tpu.memory_space<hbm>> -> memref<128x128xf32, #tpu.memory_space<hbm>>
    %dma_start3A_74 = arith.constant 0 : i32
    %dma_start3A_75 = arith.constant 0 : i32
    %dma_start3A_76 = tpu.memref_slice %arg10[%dma_start3A_65, %dma_start3A_74, %dma_start3A_75] : memref<2x128x128xf32, #tpu.memory_space<vmem>> -> memref<1x128x128xf32, #tpu.memory_space<vmem>>
    %dma_start3A_77 = tpu.memref_squeeze %dma_start3A_76 : memref<1x128x128xf32, #tpu.memory_space<vmem>> -> memref<128x128xf32, #tpu.memory_space<vmem>>
    tpu.enqueue_dma source(%dma_start3A_77 : memref<128x128xf32, #tpu.memory_space<vmem>>) target(%dma_start3A_73 : memref<128x128xf32, #tpu.memory_space<hbm>>) target_semaphore(%arg14 : memref<!tpu.dma_semaphore, #tpu.memory_space<semaphore_mem>>)
    %dma_wait3A_78 = arith.constant 1 : i32
    %dma_wait3A_79 = arith.constant 0 : i32
    %dma_wait3A_80 = arith.constant 0 : i32
    %dma_wait3A_81 = tpu.memref_slice %arg10[%dma_wait3A_78, %dma_wait3A_79, %dma_wait3A_80] : memref<2x128x128xf32, #tpu.memory_space<vmem>> -> memref<1x128x128xf32, #tpu.memory_space<vmem>>
    %dma_wait3A_82 = tpu.memref_squeeze %dma_wait3A_81 : memref<1x128x128xf32, #tpu.memory_space<vmem>> -> memref<128x128xf32, #tpu.memory_space<vmem>>
    %dma_wait3A_83 = arith.constant 128 : i32
    %dma_wait3A_84 = tpu.memref_slice %arg8[%dma_wait3A_83] : memref<256xi32, #tpu.memory_space<vmem>> -> memref<128xi32, #tpu.memory_space<vmem>>
    %dma_wait3A_85 = arith.constant 0 : i32
    %dma_wait3A_86 = arith.constant 0 : i32
    %dma_wait3A_87 = tpu.memref_slice %arg4[%dma_wait3A_85, %dma_wait3A_86] : memref<100000x128xf32, #tpu.memory_space<hbm>> -> memref<100000x128xf32, #tpu.memory_space<hbm>>
    tpu.wait_indirect_dma semaphore(%arg12 : memref<!tpu.dma_semaphore, #tpu.memory_space<semaphore_mem>>) src(%dma_wait3A_87 : memref<100000x128xf32, #tpu.memory_space<hbm>>) dst(%dma_wait3A_82 : memref<128x128xf32, #tpu.memory_space<vmem>>)
    %add3A_88 = arith.constant 128 : i32
    %add3A_89 = arith.addi %mul3A_6, %add3A_88 : i32
    %dma_start3A_90 = arith.constant 1 : i32
    %dma_start3A_91 = arith.constant 0 : i32
    %dma_start3A_92 = arith.constant 0 : i32
    %dma_start3A_93 = tpu.memref_slice %arg10[%dma_start3A_90, %dma_start3A_91, %dma_start3A_92] : memref<2x128x128xf32, #tpu.memory_space<vmem>> -> memref<1x128x128xf32, #tpu.memory_space<vmem>>
    %dma_start3A_94 = tpu.memref_squeeze %dma_start3A_93 : memref<1x128x128xf32, #tpu.memory_space<vmem>> -> memref<128x128xf32, #tpu.memory_space<vmem>>
    %dma_start3A_95 = arith.constant 0 : i32
    %dma_start3A_96 = tpu.memref_slice %arg6[%add3A_89, %dma_start3A_95] : memref<8192x128xf32, #tpu.memory_space<hbm>> -> memref<128x128xf32, #tpu.memory_space<hbm>>
    %dma_start3A_97 = arith.constant 0 : i32
    %dma_start3A_98 = tpu.memref_slice %arg6[%add3A_89, %dma_start3A_97] : memref<8192x128xf32, #tpu.memory_space<hbm>> -> memref<128x128xf32, #tpu.memory_space<hbm>>
    %dma_start3A_99 = arith.constant 0 : i32
    %dma_start3A_100 = arith.constant 0 : i32
    %dma_start3A_101 = tpu.memref_slice %arg10[%dma_start3A_90, %dma_start3A_99, %dma_start3A_100] : memref<2x128x128xf32, #tpu.memory_space<vmem>> -> memref<1x128x128xf32, #tpu.memory_space<vmem>>
    %dma_start3A_102 = tpu.memref_squeeze %dma_start3A_101 : memref<1x128x128xf32, #tpu.memory_space<vmem>> -> memref<128x128xf32, #tpu.memory_space<vmem>>
    tpu.enqueue_dma source(%dma_start3A_102 : memref<128x128xf32, #tpu.memory_space<vmem>>) target(%dma_start3A_98 : memref<128x128xf32, #tpu.memory_space<hbm>>) target_semaphore(%arg14 : memref<!tpu.dma_semaphore, #tpu.memory_space<semaphore_mem>>)
    %dma_wait3A_103 = arith.constant 0 : i32
    %dma_wait3A_104 = arith.constant 0 : i32
    %dma_wait3A_105 = arith.constant 0 : i32
    %dma_wait3A_106 = tpu.memref_slice %arg11[%dma_wait3A_103, %dma_wait3A_104, %dma_wait3A_105] : memref<2x128x128xf32, #tpu.memory_space<vmem>> -> memref<1x128x128xf32, #tpu.memory_space<vmem>>
    %dma_wait3A_107 = tpu.memref_squeeze %dma_wait3A_106 : memref<1x128x128xf32, #tpu.memory_space<vmem>> -> memref<128x128xf32, #tpu.memory_space<vmem>>
    %dma_wait3A_108 = arith.constant 0 : i32
    %dma_wait3A_109 = tpu.memref_slice %arg9[%dma_wait3A_108] : memref<256xi32, #tpu.memory_space<vmem>> -> memref<128xi32, #tpu.memory_space<vmem>>
    %dma_wait3A_110 = arith.constant 0 : i32
    %dma_wait3A_111 = arith.constant 0 : i32
    %dma_wait3A_112 = tpu.memref_slice %arg5[%dma_wait3A_110, %dma_wait3A_111] : memref<100000x128xf32, #tpu.memory_space<hbm>> -> memref<100000x128xf32, #tpu.memory_space<hbm>>
    tpu.wait_indirect_dma semaphore(%arg13 : memref<!tpu.dma_semaphore, #tpu.memory_space<semaphore_mem>>) src(%dma_wait3A_112 : memref<100000x128xf32, #tpu.memory_space<hbm>>) dst(%dma_wait3A_107 : memref<128x128xf32, #tpu.memory_space<vmem>>)
    %add3A_113 = arith.constant 0 : i32
    %add3A_114 = arith.addi %mul3A_6, %add3A_113 : i32
    %dma_start3A_115 = arith.constant 0 : i32
    %dma_start3A_116 = arith.constant 0 : i32
    %dma_start3A_117 = arith.constant 0 : i32
    %dma_start3A_118 = tpu.memref_slice %arg11[%dma_start3A_115, %dma_start3A_116, %dma_start3A_117] : memref<2x128x128xf32, #tpu.memory_space<vmem>> -> memref<1x128x128xf32, #tpu.memory_space<vmem>>
    %dma_start3A_119 = tpu.memref_squeeze %dma_start3A_118 : memref<1x128x128xf32, #tpu.memory_space<vmem>> -> memref<128x128xf32, #tpu.memory_space<vmem>>
    %dma_start3A_120 = arith.constant 0 : i32
    %dma_start3A_121 = tpu.memref_slice %arg7[%add3A_114, %dma_start3A_120] : memref<8192x128xf32, #tpu.memory_space<hbm>> -> memref<128x128xf32, #tpu.memory_space<hbm>>
    %dma_start3A_122 = arith.constant 0 : i32
    %dma_start3A_123 = tpu.memref_slice %arg7[%add3A_114, %dma_start3A_122] : memref<8192x128xf32, #tpu.memory_space<hbm>> -> memref<128x128xf32, #tpu.memory_space<hbm>>
    %dma_start3A_124 = arith.constant 0 : i32
    %dma_start3A_125 = arith.constant 0 : i32
    %dma_start3A_126 = tpu.memref_slice %arg11[%dma_start3A_115, %dma_start3A_124, %dma_start3A_125] : memref<2x128x128xf32, #tpu.memory_space<vmem>> -> memref<1x128x128xf32, #tpu.memory_space<vmem>>
    %dma_start3A_127 = tpu.memref_squeeze %dma_start3A_126 : memref<1x128x128xf32, #tpu.memory_space<vmem>> -> memref<128x128xf32, #tpu.memory_space<vmem>>
    tpu.enqueue_dma source(%dma_start3A_127 : memref<128x128xf32, #tpu.memory_space<vmem>>) target(%dma_start3A_123 : memref<128x128xf32, #tpu.memory_space<hbm>>) target_semaphore(%arg14 : memref<!tpu.dma_semaphore, #tpu.memory_space<semaphore_mem>>)
    %dma_wait3A_128 = arith.constant 1 : i32
    %dma_wait3A_129 = arith.constant 0 : i32
    %dma_wait3A_130 = arith.constant 0 : i32
    %dma_wait3A_131 = tpu.memref_slice %arg11[%dma_wait3A_128, %dma_wait3A_129, %dma_wait3A_130] : memref<2x128x128xf32, #tpu.memory_space<vmem>> -> memref<1x128x128xf32, #tpu.memory_space<vmem>>
    %dma_wait3A_132 = tpu.memref_squeeze %dma_wait3A_131 : memref<1x128x128xf32, #tpu.memory_space<vmem>> -> memref<128x128xf32, #tpu.memory_space<vmem>>
    %dma_wait3A_133 = arith.constant 128 : i32
    %dma_wait3A_134 = tpu.memref_slice %arg9[%dma_wait3A_133] : memref<256xi32, #tpu.memory_space<vmem>> -> memref<128xi32, #tpu.memory_space<vmem>>
    %dma_wait3A_135 = arith.constant 0 : i32
    %dma_wait3A_136 = arith.constant 0 : i32
    %dma_wait3A_137 = tpu.memref_slice %arg5[%dma_wait3A_135, %dma_wait3A_136] : memref<100000x128xf32, #tpu.memory_space<hbm>> -> memref<100000x128xf32, #tpu.memory_space<hbm>>
    tpu.wait_indirect_dma semaphore(%arg13 : memref<!tpu.dma_semaphore, #tpu.memory_space<semaphore_mem>>) src(%dma_wait3A_137 : memref<100000x128xf32, #tpu.memory_space<hbm>>) dst(%dma_wait3A_132 : memref<128x128xf32, #tpu.memory_space<vmem>>)
    %add3A_138 = arith.constant 128 : i32
    %add3A_139 = arith.addi %mul3A_6, %add3A_138 : i32
    %dma_start3A_140 = arith.constant 1 : i32
    %dma_start3A_141 = arith.constant 0 : i32
    %dma_start3A_142 = arith.constant 0 : i32
    %dma_start3A_143 = tpu.memref_slice %arg11[%dma_start3A_140, %dma_start3A_141, %dma_start3A_142] : memref<2x128x128xf32, #tpu.memory_space<vmem>> -> memref<1x128x128xf32, #tpu.memory_space<vmem>>
    %dma_start3A_144 = tpu.memref_squeeze %dma_start3A_143 : memref<1x128x128xf32, #tpu.memory_space<vmem>> -> memref<128x128xf32, #tpu.memory_space<vmem>>
    %dma_start3A_145 = arith.constant 0 : i32
    %dma_start3A_146 = tpu.memref_slice %arg7[%add3A_139, %dma_start3A_145] : memref<8192x128xf32, #tpu.memory_space<hbm>> -> memref<128x128xf32, #tpu.memory_space<hbm>>
    %dma_start3A_147 = arith.constant 0 : i32
    %dma_start3A_148 = tpu.memref_slice %arg7[%add3A_139, %dma_start3A_147] : memref<8192x128xf32, #tpu.memory_space<hbm>> -> memref<128x128xf32, #tpu.memory_space<hbm>>
    %dma_start3A_149 = arith.constant 0 : i32
    %dma_start3A_150 = arith.constant 0 : i32
    %dma_start3A_151 = tpu.memref_slice %arg11[%dma_start3A_140, %dma_start3A_149, %dma_start3A_150] : memref<2x128x128xf32, #tpu.memory_space<vmem>> -> memref<1x128x128xf32, #tpu.memory_space<vmem>>
    %dma_start3A_152 = tpu.memref_squeeze %dma_start3A_151 : memref<1x128x128xf32, #tpu.memory_space<vmem>> -> memref<128x128xf32, #tpu.memory_space<vmem>>
    tpu.enqueue_dma source(%dma_start3A_152 : memref<128x128xf32, #tpu.memory_space<vmem>>) target(%dma_start3A_148 : memref<128x128xf32, #tpu.memory_space<hbm>>) target_semaphore(%arg14 : memref<!tpu.dma_semaphore, #tpu.memory_space<semaphore_mem>>)
    %dma_wait3A_153 = arith.constant 0 : i32
    %dma_wait3A_154 = arith.constant 0 : i32
    %dma_wait3A_155 = arith.constant 0 : i32
    %dma_wait3A_156 = tpu.memref_slice %arg10[%dma_wait3A_153, %dma_wait3A_154, %dma_wait3A_155] : memref<2x128x128xf32, #tpu.memory_space<vmem>> -> memref<1x128x128xf32, #tpu.memory_space<vmem>>
    %dma_wait3A_157 = tpu.memref_squeeze %dma_wait3A_156 : memref<1x128x128xf32, #tpu.memory_space<vmem>> -> memref<128x128xf32, #tpu.memory_space<vmem>>
    %dma_wait3A_158 = arith.constant 0 : i32
    %dma_wait3A_159 = tpu.memref_slice %arg6[%add3A_64, %dma_wait3A_158] : memref<8192x128xf32, #tpu.memory_space<hbm>> -> memref<128x128xf32, #tpu.memory_space<hbm>>
    %dma_wait3A_160 = arith.constant 0 : i32
    %dma_wait3A_161 = tpu.memref_slice %arg6[%add3A_64, %dma_wait3A_160] : memref<8192x128xf32, #tpu.memory_space<hbm>> -> memref<128x128xf32, #tpu.memory_space<hbm>>
    %dma_wait3A_162 = arith.constant 0 : i32
    %dma_wait3A_163 = arith.constant 0 : i32
    %dma_wait3A_164 = tpu.memref_slice %arg10[%dma_wait3A_153, %dma_wait3A_162, %dma_wait3A_163] : memref<2x128x128xf32, #tpu.memory_space<vmem>> -> memref<1x128x128xf32, #tpu.memory_space<vmem>>
    %dma_wait3A_165 = tpu.memref_squeeze %dma_wait3A_164 : memref<1x128x128xf32, #tpu.memory_space<vmem>> -> memref<128x128xf32, #tpu.memory_space<vmem>>
    tpu.wait_dma2 semaphore(%arg14 : memref<!tpu.dma_semaphore, #tpu.memory_space<semaphore_mem>>) src(%dma_wait3A_165 : memref<128x128xf32, #tpu.memory_space<vmem>>) dst(%dma_wait3A_161 : memref<128x128xf32, #tpu.memory_space<hbm>>)
    %dma_wait3A_166 = arith.constant 1 : i32
    %dma_wait3A_167 = arith.constant 0 : i32
    %dma_wait3A_168 = arith.constant 0 : i32
    %dma_wait3A_169 = tpu.memref_slice %arg10[%dma_wait3A_166, %dma_wait3A_167, %dma_wait3A_168] : memref<2x128x128xf32, #tpu.memory_space<vmem>> -> memref<1x128x128xf32, #tpu.memory_space<vmem>>
    %dma_wait3A_170 = tpu.memref_squeeze %dma_wait3A_169 : memref<1x128x128xf32, #tpu.memory_space<vmem>> -> memref<128x128xf32, #tpu.memory_space<vmem>>
    %dma_wait3A_171 = arith.constant 0 : i32
    %dma_wait3A_172 = tpu.memref_slice %arg6[%add3A_89, %dma_wait3A_171] : memref<8192x128xf32, #tpu.memory_space<hbm>> -> memref<128x128xf32, #tpu.memory_space<hbm>>
    %dma_wait3A_173 = arith.constant 0 : i32
    %dma_wait3A_174 = tpu.memref_slice %arg6[%add3A_89, %dma_wait3A_173] : memref<8192x128xf32, #tpu.memory_space<hbm>> -> memref<128x128xf32, #tpu.memory_space<hbm>>
    %dma_wait3A_175 = arith.constant 0 : i32
    %dma_wait3A_176 = arith.constant 0 : i32
    %dma_wait3A_177 = tpu.memref_slice %arg10[%dma_wait3A_166, %dma_wait3A_175, %dma_wait3A_176] : memref<2x128x128xf32, #tpu.memory_space<vmem>> -> memref<1x128x128xf32, #tpu.memory_space<vmem>>
    %dma_wait3A_178 = tpu.memref_squeeze %dma_wait3A_177 : memref<1x128x128xf32, #tpu.memory_space<vmem>> -> memref<128x128xf32, #tpu.memory_space<vmem>>
    tpu.wait_dma2 semaphore(%arg14 : memref<!tpu.dma_semaphore, #tpu.memory_space<semaphore_mem>>) src(%dma_wait3A_178 : memref<128x128xf32, #tpu.memory_space<vmem>>) dst(%dma_wait3A_174 : memref<128x128xf32, #tpu.memory_space<hbm>>)
    %dma_wait3A_179 = arith.constant 0 : i32
    %dma_wait3A_180 = arith.constant 0 : i32
    %dma_wait3A_181 = arith.constant 0 : i32
    %dma_wait3A_182 = tpu.memref_slice %arg11[%dma_wait3A_179, %dma_wait3A_180, %dma_wait3A_181] : memref<2x128x128xf32, #tpu.memory_space<vmem>> -> memref<1x128x128xf32, #tpu.memory_space<vmem>>
    %dma_wait3A_183 = tpu.memref_squeeze %dma_wait3A_182 : memref<1x128x128xf32, #tpu.memory_space<vmem>> -> memref<128x128xf32, #tpu.memory_space<vmem>>
    %dma_wait3A_184 = arith.constant 0 : i32
    %dma_wait3A_185 = tpu.memref_slice %arg7[%add3A_114, %dma_wait3A_184] : memref<8192x128xf32, #tpu.memory_space<hbm>> -> memref<128x128xf32, #tpu.memory_space<hbm>>
    %dma_wait3A_186 = arith.constant 0 : i32
    %dma_wait3A_187 = tpu.memref_slice %arg7[%add3A_114, %dma_wait3A_186] : memref<8192x128xf32, #tpu.memory_space<hbm>> -> memref<128x128xf32, #tpu.memory_space<hbm>>
    %dma_wait3A_188 = arith.constant 0 : i32
    %dma_wait3A_189 = arith.constant 0 : i32
    %dma_wait3A_190 = tpu.memref_slice %arg11[%dma_wait3A_179, %dma_wait3A_188, %dma_wait3A_189] : memref<2x128x128xf32, #tpu.memory_space<vmem>> -> memref<1x128x128xf32, #tpu.memory_space<vmem>>
    %dma_wait3A_191 = tpu.memref_squeeze %dma_wait3A_190 : memref<1x128x128xf32, #tpu.memory_space<vmem>> -> memref<128x128xf32, #tpu.memory_space<vmem>>
    tpu.wait_dma2 semaphore(%arg14 : memref<!tpu.dma_semaphore, #tpu.memory_space<semaphore_mem>>) src(%dma_wait3A_191 : memref<128x128xf32, #tpu.memory_space<vmem>>) dst(%dma_wait3A_187 : memref<128x128xf32, #tpu.memory_space<hbm>>)
    %dma_wait3A_192 = arith.constant 1 : i32
    %dma_wait3A_193 = arith.constant 0 : i32
    %dma_wait3A_194 = arith.constant 0 : i32
    %dma_wait3A_195 = tpu.memref_slice %arg11[%dma_wait3A_192, %dma_wait3A_193, %dma_wait3A_194] : memref<2x128x128xf32, #tpu.memory_space<vmem>> -> memref<1x128x128xf32, #tpu.memory_space<vmem>>
    %dma_wait3A_196 = tpu.memref_squeeze %dma_wait3A_195 : memref<1x128x128xf32, #tpu.memory_space<vmem>> -> memref<128x128xf32, #tpu.memory_space<vmem>>
    %dma_wait3A_197 = arith.constant 0 : i32
    %dma_wait3A_198 = tpu.memref_slice %arg7[%add3A_139, %dma_wait3A_197] : memref<8192x128xf32, #tpu.memory_space<hbm>> -> memref<128x128xf32, #tpu.memory_space<hbm>>
    %dma_wait3A_199 = arith.constant 0 : i32
    %dma_wait3A_200 = tpu.memref_slice %arg7[%add3A_139, %dma_wait3A_199] : memref<8192x128xf32, #tpu.memory_space<hbm>> -> memref<128x128xf32, #tpu.memory_space<hbm>>
    %dma_wait3A_201 = arith.constant 0 : i32
    %dma_wait3A_202 = arith.constant 0 : i32
    %dma_wait3A_203 = tpu.memref_slice %arg11[%dma_wait3A_192, %dma_wait3A_201, %dma_wait3A_202] : memref<2x128x128xf32, #tpu.memory_space<vmem>> -> memref<1x128x128xf32, #tpu.memory_space<vmem>>
    %dma_wait3A_204 = tpu.memref_squeeze %dma_wait3A_203 : memref<1x128x128xf32, #tpu.memory_space<vmem>> -> memref<128x128xf32, #tpu.memory_space<vmem>>
    tpu.wait_dma2 semaphore(%arg14 : memref<!tpu.dma_semaphore, #tpu.memory_space<semaphore_mem>>) src(%dma_wait3A_204 : memref<128x128xf32, #tpu.memory_space<vmem>>) dst(%dma_wait3A_200 : memref<128x128xf32, #tpu.memory_space<hbm>>)
    return
  }
}

#map = affine_map<(d0, d1) -> (0)>
#map1 = affine_map<(d0, d1) -> (0, 0)>
module attributes {stable_mosaic.version = 14 : i64} {
  func.func @_gather_body(%arg0: i32, %arg1: i32, %arg2: memref<16384xi32, #tpu.memory_space<hbm>>, %arg3: memref<16384xi32, #tpu.memory_space<hbm>>, %arg4: memref<100000x128xf32, #tpu.memory_space<hbm>>, %arg5: memref<100000x128xf32, #tpu.memory_space<hbm>>, %arg6: memref<8192x128xf32, #tpu.memory_space<hbm>>, %arg7: memref<8192x128xf32, #tpu.memory_space<hbm>>, %arg8: memref<256xi32, #tpu.memory_space<vmem>>, %arg9: memref<256xi32, #tpu.memory_space<vmem>>, %arg10: memref<2x128x128xf32, #tpu.memory_space<vmem>>, %arg11: memref<2x128x128xf32, #tpu.memory_space<vmem>>, %arg12: memref<!tpu.dma_semaphore, #tpu.memory_space<semaphore_mem>>, %arg13: memref<!tpu.dma_semaphore, #tpu.memory_space<semaphore_mem>>, %arg14: memref<!tpu.dma_semaphore, #tpu.memory_space<semaphore_mem>>) attributes {dimension_semantics = [#tpu.dimension_semantics<core_parallel>, #tpu.dimension_semantics<subcore_parallel>], iteration_bounds = array<i64: 2, 16>, scalar_prefetch = 0 : i64, scratch_operands = 7 : i64, tpu.core_type = #tpu.core_type<sc_vector_subcore>, window_params = [{transform_indices = #map}, {transform_indices = #map}, {transform_indices = #map1}, {transform_indices = #map1}, {transform_indices = #map1}, {transform_indices = #map1}]} {
    %mul3A = arith.constant 2 : i32
    %mul3A_0 = arith.muli %arg1, %mul3A : i32
    %add3A = arith.addi %mul3A_0, %arg0 : i32
    %mul3A_1 = arith.constant 256 : i32
    %mul3A_2 = arith.muli %add3A, %mul3A_1 : i32
    %add3A_3 = arith.constant 0 : i32
    %add3A_4 = arith.addi %add3A_3, %mul3A_2 : i32
    %mul3A_5 = arith.constant 256 : i32
    %mul3A_6 = arith.muli %add3A, %mul3A_5 : i32
    %dma_start3A = tpu.memref_slice %arg2[%add3A_4] : memref<16384xi32, #tpu.memory_space<hbm>> -> memref<256xi32, #tpu.memory_space<hbm>>
    %dma_start3A_7 = tpu.memref_slice %arg2[%add3A_4] : memref<16384xi32, #tpu.memory_space<hbm>> -> memref<256xi32, #tpu.memory_space<hbm>>
    tpu.enqueue_dma source(%dma_start3A_7 : memref<256xi32, #tpu.memory_space<hbm>>) target(%arg8 : memref<256xi32, #tpu.memory_space<vmem>>) target_semaphore(%arg12 : memref<!tpu.dma_semaphore, #tpu.memory_space<semaphore_mem>>)
    %dma_start3A_8 = tpu.memref_slice %arg3[%add3A_4] : memref<16384xi32, #tpu.memory_space<hbm>> -> memref<256xi32, #tpu.memory_space<hbm>>
    %dma_start3A_9 = tpu.memref_slice %arg3[%add3A_4] : memref<16384xi32, #tpu.memory_space<hbm>> -> memref<256xi32, #tpu.memory_space<hbm>>
    tpu.enqueue_dma source(%dma_start3A_9 : memref<256xi32, #tpu.memory_space<hbm>>) target(%arg9 : memref<256xi32, #tpu.memory_space<vmem>>) target_semaphore(%arg13 : memref<!tpu.dma_semaphore, #tpu.memory_space<semaphore_mem>>)
    %dma_wait3A = tpu.memref_slice %arg2[%add3A_4] : memref<16384xi32, #tpu.memory_space<hbm>> -> memref<256xi32, #tpu.memory_space<hbm>>
    %dma_wait3A_10 = tpu.memref_slice %arg2[%add3A_4] : memref<16384xi32, #tpu.memory_space<hbm>> -> memref<256xi32, #tpu.memory_space<hbm>>
    tpu.wait_dma2 semaphore(%arg12 : memref<!tpu.dma_semaphore, #tpu.memory_space<semaphore_mem>>) src(%dma_wait3A_10 : memref<256xi32, #tpu.memory_space<hbm>>) dst(%arg8 : memref<256xi32, #tpu.memory_space<vmem>>)
    %dma_wait3A_11 = tpu.memref_slice %arg3[%add3A_4] : memref<16384xi32, #tpu.memory_space<hbm>> -> memref<256xi32, #tpu.memory_space<hbm>>
    %dma_wait3A_12 = tpu.memref_slice %arg3[%add3A_4] : memref<16384xi32, #tpu.memory_space<hbm>> -> memref<256xi32, #tpu.memory_space<hbm>>
    tpu.wait_dma2 semaphore(%arg13 : memref<!tpu.dma_semaphore, #tpu.memory_space<semaphore_mem>>) src(%dma_wait3A_12 : memref<256xi32, #tpu.memory_space<hbm>>) dst(%arg9 : memref<256xi32, #tpu.memory_space<vmem>>)
    %dma_start3A_13 = arith.constant 0 : i32
    %dma_start3A_14 = arith.constant 0 : i32
    %dma_start3A_15 = arith.constant 0 : i32
    %dma_start3A_16 = tpu.memref_slice %arg10[%dma_start3A_13, %dma_start3A_14, %dma_start3A_15] : memref<2x128x128xf32, #tpu.memory_space<vmem>> -> memref<1x128x128xf32, #tpu.memory_space<vmem>>
    %dma_start3A_17 = tpu.memref_squeeze %dma_start3A_16 : memref<1x128x128xf32, #tpu.memory_space<vmem>> -> memref<128x128xf32, #tpu.memory_space<vmem>>
    %dma_start3A_18 = arith.constant 0 : i32
    %dma_start3A_19 = tpu.memref_slice %arg8[%dma_start3A_18] : memref<256xi32, #tpu.memory_space<vmem>> -> memref<128xi32, #tpu.memory_space<vmem>>
    %dma_start3A_20 = arith.constant 0 : i32
    %dma_start3A_21 = arith.constant 0 : i32
    %dma_start3A_22 = tpu.memref_slice %arg4[%dma_start3A_20, %dma_start3A_21] : memref<100000x128xf32, #tpu.memory_space<hbm>> -> memref<100000x128xf32, #tpu.memory_space<hbm>>
    tpu.enqueue_indirect_dma source(%dma_start3A_22 : memref<100000x128xf32, #tpu.memory_space<hbm>>) target(%dma_start3A_17 : memref<128x128xf32, #tpu.memory_space<vmem>>) offsets(%dma_start3A_19 : memref<128xi32, #tpu.memory_space<vmem>>) semaphore(%arg12 : memref<!tpu.dma_semaphore, #tpu.memory_space<semaphore_mem>>)
    %dma_start3A_23 = arith.constant 1 : i32
    %dma_start3A_24 = arith.constant 0 : i32
    %dma_start3A_25 = arith.constant 0 : i32
    %dma_start3A_26 = tpu.memref_slice %arg10[%dma_start3A_23, %dma_start3A_24, %dma_start3A_25] : memref<2x128x128xf32, #tpu.memory_space<vmem>> -> memref<1x128x128xf32, #tpu.memory_space<vmem>>
    %dma_start3A_27 = tpu.memref_squeeze %dma_start3A_26 : memref<1x128x128xf32, #tpu.memory_space<vmem>> -> memref<128x128xf32, #tpu.memory_space<vmem>>
    %dma_start3A_28 = arith.constant 128 : i32
    %dma_start3A_29 = tpu.memref_slice %arg8[%dma_start3A_28] : memref<256xi32, #tpu.memory_space<vmem>> -> memref<128xi32, #tpu.memory_space<vmem>>
    %dma_start3A_30 = arith.constant 0 : i32
    %dma_start3A_31 = arith.constant 0 : i32
    %dma_start3A_32 = tpu.memref_slice %arg4[%dma_start3A_30, %dma_start3A_31] : memref<100000x128xf32, #tpu.memory_space<hbm>> -> memref<100000x128xf32, #tpu.memory_space<hbm>>
    tpu.enqueue_indirect_dma source(%dma_start3A_32 : memref<100000x128xf32, #tpu.memory_space<hbm>>) target(%dma_start3A_27 : memref<128x128xf32, #tpu.memory_space<vmem>>) offsets(%dma_start3A_29 : memref<128xi32, #tpu.memory_space<vmem>>) semaphore(%arg12 : memref<!tpu.dma_semaphore, #tpu.memory_space<semaphore_mem>>)
    %dma_start3A_33 = arith.constant 0 : i32
    %dma_start3A_34 = arith.constant 0 : i32
    %dma_start3A_35 = arith.constant 0 : i32
    %dma_start3A_36 = tpu.memref_slice %arg11[%dma_start3A_33, %dma_start3A_34, %dma_start3A_35] : memref<2x128x128xf32, #tpu.memory_space<vmem>> -> memref<1x128x128xf32, #tpu.memory_space<vmem>>
    %dma_start3A_37 = tpu.memref_squeeze %dma_start3A_36 : memref<1x128x128xf32, #tpu.memory_space<vmem>> -> memref<128x128xf32, #tpu.memory_space<vmem>>
    %dma_start3A_38 = arith.constant 0 : i32
    %dma_start3A_39 = tpu.memref_slice %arg9[%dma_start3A_38] : memref<256xi32, #tpu.memory_space<vmem>> -> memref<128xi32, #tpu.memory_space<vmem>>
    %dma_start3A_40 = arith.constant 0 : i32
    %dma_start3A_41 = arith.constant 0 : i32
    %dma_start3A_42 = tpu.memref_slice %arg5[%dma_start3A_40, %dma_start3A_41] : memref<100000x128xf32, #tpu.memory_space<hbm>> -> memref<100000x128xf32, #tpu.memory_space<hbm>>
    tpu.enqueue_indirect_dma source(%dma_start3A_42 : memref<100000x128xf32, #tpu.memory_space<hbm>>) target(%dma_start3A_37 : memref<128x128xf32, #tpu.memory_space<vmem>>) offsets(%dma_start3A_39 : memref<128xi32, #tpu.memory_space<vmem>>) semaphore(%arg13 : memref<!tpu.dma_semaphore, #tpu.memory_space<semaphore_mem>>)
    %dma_start3A_43 = arith.constant 1 : i32
    %dma_start3A_44 = arith.constant 0 : i32
    %dma_start3A_45 = arith.constant 0 : i32
    %dma_start3A_46 = tpu.memref_slice %arg11[%dma_start3A_43, %dma_start3A_44, %dma_start3A_45] : memref<2x128x128xf32, #tpu.memory_space<vmem>> -> memref<1x128x128xf32, #tpu.memory_space<vmem>>
    %dma_start3A_47 = tpu.memref_squeeze %dma_start3A_46 : memref<1x128x128xf32, #tpu.memory_space<vmem>> -> memref<128x128xf32, #tpu.memory_space<vmem>>
    %dma_start3A_48 = arith.constant 128 : i32
    %dma_start3A_49 = tpu.memref_slice %arg9[%dma_start3A_48] : memref<256xi32, #tpu.memory_space<vmem>> -> memref<128xi32, #tpu.memory_space<vmem>>
    %dma_start3A_50 = arith.constant 0 : i32
    %dma_start3A_51 = arith.constant 0 : i32
    %dma_start3A_52 = tpu.memref_slice %arg5[%dma_start3A_50, %dma_start3A_51] : memref<100000x128xf32, #tpu.memory_space<hbm>> -> memref<100000x128xf32, #tpu.memory_space<hbm>>
    tpu.enqueue_indirect_dma source(%dma_start3A_52 : memref<100000x128xf32, #tpu.memory_space<hbm>>) target(%dma_start3A_47 : memref<128x128xf32, #tpu.memory_space<vmem>>) offsets(%dma_start3A_49 : memref<128xi32, #tpu.memory_space<vmem>>) semaphore(%arg13 : memref<!tpu.dma_semaphore, #tpu.memory_space<semaphore_mem>>)
    %dma_wait3A_53 = arith.constant 0 : i32
    %dma_wait3A_54 = arith.constant 0 : i32
    %dma_wait3A_55 = arith.constant 0 : i32
    %dma_wait3A_56 = tpu.memref_slice %arg10[%dma_wait3A_53, %dma_wait3A_54, %dma_wait3A_55] : memref<2x128x128xf32, #tpu.memory_space<vmem>> -> memref<1x128x128xf32, #tpu.memory_space<vmem>>
    %dma_wait3A_57 = tpu.memref_squeeze %dma_wait3A_56 : memref<1x128x128xf32, #tpu.memory_space<vmem>> -> memref<128x128xf32, #tpu.memory_space<vmem>>
    %dma_wait3A_58 = arith.constant 0 : i32
    %dma_wait3A_59 = tpu.memref_slice %arg8[%dma_wait3A_58] : memref<256xi32, #tpu.memory_space<vmem>> -> memref<128xi32, #tpu.memory_space<vmem>>
    %dma_wait3A_60 = arith.constant 0 : i32
    %dma_wait3A_61 = arith.constant 0 : i32
    %dma_wait3A_62 = tpu.memref_slice %arg4[%dma_wait3A_60, %dma_wait3A_61] : memref<100000x128xf32, #tpu.memory_space<hbm>> -> memref<100000x128xf32, #tpu.memory_space<hbm>>
    tpu.wait_indirect_dma semaphore(%arg12 : memref<!tpu.dma_semaphore, #tpu.memory_space<semaphore_mem>>) src(%dma_wait3A_62 : memref<100000x128xf32, #tpu.memory_space<hbm>>) dst(%dma_wait3A_57 : memref<128x128xf32, #tpu.memory_space<vmem>>)
    %add3A_63 = arith.constant 0 : i32
    %add3A_64 = arith.addi %mul3A_6, %add3A_63 : i32
    %dma_start3A_65 = arith.constant 0 : i32
    %dma_start3A_66 = arith.constant 0 : i32
    %dma_start3A_67 = arith.constant 0 : i32
    %dma_start3A_68 = tpu.memref_slice %arg10[%dma_start3A_65, %dma_start3A_66, %dma_start3A_67] : memref<2x128x128xf32, #tpu.memory_space<vmem>> -> memref<1x128x128xf32, #tpu.memory_space<vmem>>
    %dma_start3A_69 = tpu.memref_squeeze %dma_start3A_68 : memref<1x128x128xf32, #tpu.memory_space<vmem>> -> memref<128x128xf32, #tpu.memory_space<vmem>>
    %dma_start3A_70 = arith.constant 0 : i32
    %dma_start3A_71 = tpu.memref_slice %arg6[%add3A_64, %dma_start3A_70] : memref<8192x128xf32, #tpu.memory_space<hbm>> -> memref<128x128xf32, #tpu.memory_space<hbm>>
    %dma_start3A_72 = arith.constant 0 : i32
    %dma_start3A_73 = tpu.memref_slice %arg6[%add3A_64, %dma_start3A_72] : memref<8192x128xf32, #tpu.memory_space<hbm>> -> memref<128x128xf32, #tpu.memory_space<hbm>>
    %dma_start3A_74 = arith.constant 0 : i32
    %dma_start3A_75 = arith.constant 0 : i32
    %dma_start3A_76 = tpu.memref_slice %arg10[%dma_start3A_65, %dma_start3A_74, %dma_start3A_75] : memref<2x128x128xf32, #tpu.memory_space<vmem>> -> memref<1x128x128xf32, #tpu.memory_space<vmem>>
    %dma_start3A_77 = tpu.memref_squeeze %dma_start3A_76 : memref<1x128x128xf32, #tpu.memory_space<vmem>> -> memref<128x128xf32, #tpu.memory_space<vmem>>
    tpu.enqueue_dma source(%dma_start3A_77 : memref<128x128xf32, #tpu.memory_space<vmem>>) target(%dma_start3A_73 : memref<128x128xf32, #tpu.memory_space<hbm>>) target_semaphore(%arg14 : memref<!tpu.dma_semaphore, #tpu.memory_space<semaphore_mem>>)
    %dma_wait3A_78 = arith.constant 1 : i32
    %dma_wait3A_79 = arith.constant 0 : i32
    %dma_wait3A_80 = arith.constant 0 : i32
    %dma_wait3A_81 = tpu.memref_slice %arg10[%dma_wait3A_78, %dma_wait3A_79, %dma_wait3A_80] : memref<2x128x128xf32, #tpu.memory_space<vmem>> -> memref<1x128x128xf32, #tpu.memory_space<vmem>>
    %dma_wait3A_82 = tpu.memref_squeeze %dma_wait3A_81 : memref<1x128x128xf32, #tpu.memory_space<vmem>> -> memref<128x128xf32, #tpu.memory_space<vmem>>
    %dma_wait3A_83 = arith.constant 128 : i32
    %dma_wait3A_84 = tpu.memref_slice %arg8[%dma_wait3A_83] : memref<256xi32, #tpu.memory_space<vmem>> -> memref<128xi32, #tpu.memory_space<vmem>>
    %dma_wait3A_85 = arith.constant 0 : i32
    %dma_wait3A_86 = arith.constant 0 : i32
    %dma_wait3A_87 = tpu.memref_slice %arg4[%dma_wait3A_85, %dma_wait3A_86] : memref<100000x128xf32, #tpu.memory_space<hbm>> -> memref<100000x128xf32, #tpu.memory_space<hbm>>
    tpu.wait_indirect_dma semaphore(%arg12 : memref<!tpu.dma_semaphore, #tpu.memory_space<semaphore_mem>>) src(%dma_wait3A_87 : memref<100000x128xf32, #tpu.memory_space<hbm>>) dst(%dma_wait3A_82 : memref<128x128xf32, #tpu.memory_space<vmem>>)
    %add3A_88 = arith.constant 128 : i32
    %add3A_89 = arith.addi %mul3A_6, %add3A_88 : i32
    %dma_start3A_90 = arith.constant 1 : i32
    %dma_start3A_91 = arith.constant 0 : i32
    %dma_start3A_92 = arith.constant 0 : i32
    %dma_start3A_93 = tpu.memref_slice %arg10[%dma_start3A_90, %dma_start3A_91, %dma_start3A_92] : memref<2x128x128xf32, #tpu.memory_space<vmem>> -> memref<1x128x128xf32, #tpu.memory_space<vmem>>
    %dma_start3A_94 = tpu.memref_squeeze %dma_start3A_93 : memref<1x128x128xf32, #tpu.memory_space<vmem>> -> memref<128x128xf32, #tpu.memory_space<vmem>>
    %dma_start3A_95 = arith.constant 0 : i32
    %dma_start3A_96 = tpu.memref_slice %arg6[%add3A_89, %dma_start3A_95] : memref<8192x128xf32, #tpu.memory_space<hbm>> -> memref<128x128xf32, #tpu.memory_space<hbm>>
    %dma_start3A_97 = arith.constant 0 : i32
    %dma_start3A_98 = tpu.memref_slice %arg6[%add3A_89, %dma_start3A_97] : memref<8192x128xf32, #tpu.memory_space<hbm>> -> memref<128x128xf32, #tpu.memory_space<hbm>>
    %dma_start3A_99 = arith.constant 0 : i32
    %dma_start3A_100 = arith.constant 0 : i32
    %dma_start3A_101 = tpu.memref_slice %arg10[%dma_start3A_90, %dma_start3A_99, %dma_start3A_100] : memref<2x128x128xf32, #tpu.memory_space<vmem>> -> memref<1x128x128xf32, #tpu.memory_space<vmem>>
    %dma_start3A_102 = tpu.memref_squeeze %dma_start3A_101 : memref<1x128x128xf32, #tpu.memory_space<vmem>> -> memref<128x128xf32, #tpu.memory_space<vmem>>
    tpu.enqueue_dma source(%dma_start3A_102 : memref<128x128xf32, #tpu.memory_space<vmem>>) target(%dma_start3A_98 : memref<128x128xf32, #tpu.memory_space<hbm>>) target_semaphore(%arg14 : memref<!tpu.dma_semaphore, #tpu.memory_space<semaphore_mem>>)
    %dma_wait3A_103 = arith.constant 0 : i32
    %dma_wait3A_104 = arith.constant 0 : i32
    %dma_wait3A_105 = arith.constant 0 : i32
    %dma_wait3A_106 = tpu.memref_slice %arg11[%dma_wait3A_103, %dma_wait3A_104, %dma_wait3A_105] : memref<2x128x128xf32, #tpu.memory_space<vmem>> -> memref<1x128x128xf32, #tpu.memory_space<vmem>>
    %dma_wait3A_107 = tpu.memref_squeeze %dma_wait3A_106 : memref<1x128x128xf32, #tpu.memory_space<vmem>> -> memref<128x128xf32, #tpu.memory_space<vmem>>
    %dma_wait3A_108 = arith.constant 0 : i32
    %dma_wait3A_109 = tpu.memref_slice %arg9[%dma_wait3A_108] : memref<256xi32, #tpu.memory_space<vmem>> -> memref<128xi32, #tpu.memory_space<vmem>>
    %dma_wait3A_110 = arith.constant 0 : i32
    %dma_wait3A_111 = arith.constant 0 : i32
    %dma_wait3A_112 = tpu.memref_slice %arg5[%dma_wait3A_110, %dma_wait3A_111] : memref<100000x128xf32, #tpu.memory_space<hbm>> -> memref<100000x128xf32, #tpu.memory_space<hbm>>
    tpu.wait_indirect_dma semaphore(%arg13 : memref<!tpu.dma_semaphore, #tpu.memory_space<semaphore_mem>>) src(%dma_wait3A_112 : memref<100000x128xf32, #tpu.memory_space<hbm>>) dst(%dma_wait3A_107 : memref<128x128xf32, #tpu.memory_space<vmem>>)
    %add3A_113 = arith.constant 0 : i32
    %add3A_114 = arith.addi %mul3A_6, %add3A_113 : i32
    %dma_start3A_115 = arith.constant 0 : i32
    %dma_start3A_116 = arith.constant 0 : i32
    %dma_start3A_117 = arith.constant 0 : i32
    %dma_start3A_118 = tpu.memref_slice %arg11[%dma_start3A_115, %dma_start3A_116, %dma_start3A_117] : memref<2x128x128xf32, #tpu.memory_space<vmem>> -> memref<1x128x128xf32, #tpu.memory_space<vmem>>
    %dma_start3A_119 = tpu.memref_squeeze %dma_start3A_118 : memref<1x128x128xf32, #tpu.memory_space<vmem>> -> memref<128x128xf32, #tpu.memory_space<vmem>>
    %dma_start3A_120 = arith.constant 0 : i32
    %dma_start3A_121 = tpu.memref_slice %arg7[%add3A_114, %dma_start3A_120] : memref<8192x128xf32, #tpu.memory_space<hbm>> -> memref<128x128xf32, #tpu.memory_space<hbm>>
    %dma_start3A_122 = arith.constant 0 : i32
    %dma_start3A_123 = tpu.memref_slice %arg7[%add3A_114, %dma_start3A_122] : memref<8192x128xf32, #tpu.memory_space<hbm>> -> memref<128x128xf32, #tpu.memory_space<hbm>>
    %dma_start3A_124 = arith.constant 0 : i32
    %dma_start3A_125 = arith.constant 0 : i32
    %dma_start3A_126 = tpu.memref_slice %arg11[%dma_start3A_115, %dma_start3A_124, %dma_start3A_125] : memref<2x128x128xf32, #tpu.memory_space<vmem>> -> memref<1x128x128xf32, #tpu.memory_space<vmem>>
    %dma_start3A_127 = tpu.memref_squeeze %dma_start3A_126 : memref<1x128x128xf32, #tpu.memory_space<vmem>> -> memref<128x128xf32, #tpu.memory_space<vmem>>
    tpu.enqueue_dma source(%dma_start3A_127 : memref<128x128xf32, #tpu.memory_space<vmem>>) target(%dma_start3A_123 : memref<128x128xf32, #tpu.memory_space<hbm>>) target_semaphore(%arg14 : memref<!tpu.dma_semaphore, #tpu.memory_space<semaphore_mem>>)
    %dma_wait3A_128 = arith.constant 1 : i32
    %dma_wait3A_129 = arith.constant 0 : i32
    %dma_wait3A_130 = arith.constant 0 : i32
    %dma_wait3A_131 = tpu.memref_slice %arg11[%dma_wait3A_128, %dma_wait3A_129, %dma_wait3A_130] : memref<2x128x128xf32, #tpu.memory_space<vmem>> -> memref<1x128x128xf32, #tpu.memory_space<vmem>>
    %dma_wait3A_132 = tpu.memref_squeeze %dma_wait3A_131 : memref<1x128x128xf32, #tpu.memory_space<vmem>> -> memref<128x128xf32, #tpu.memory_space<vmem>>
    %dma_wait3A_133 = arith.constant 128 : i32
    %dma_wait3A_134 = tpu.memref_slice %arg9[%dma_wait3A_133] : memref<256xi32, #tpu.memory_space<vmem>> -> memref<128xi32, #tpu.memory_space<vmem>>
    %dma_wait3A_135 = arith.constant 0 : i32
    %dma_wait3A_136 = arith.constant 0 : i32
    %dma_wait3A_137 = tpu.memref_slice %arg5[%dma_wait3A_135, %dma_wait3A_136] : memref<100000x128xf32, #tpu.memory_space<hbm>> -> memref<100000x128xf32, #tpu.memory_space<hbm>>
    tpu.wait_indirect_dma semaphore(%arg13 : memref<!tpu.dma_semaphore, #tpu.memory_space<semaphore_mem>>) src(%dma_wait3A_137 : memref<100000x128xf32, #tpu.memory_space<hbm>>) dst(%dma_wait3A_132 : memref<128x128xf32, #tpu.memory_space<vmem>>)
    %add3A_138 = arith.constant 128 : i32
    %add3A_139 = arith.addi %mul3A_6, %add3A_138 : i32
    %dma_start3A_140 = arith.constant 1 : i32
    %dma_start3A_141 = arith.constant 0 : i32
    %dma_start3A_142 = arith.constant 0 : i32
    %dma_start3A_143 = tpu.memref_slice %arg11[%dma_start3A_140, %dma_start3A_141, %dma_start3A_142] : memref<2x128x128xf32, #tpu.memory_space<vmem>> -> memref<1x128x128xf32, #tpu.memory_space<vmem>>
    %dma_start3A_144 = tpu.memref_squeeze %dma_start3A_143 : memref<1x128x128xf32, #tpu.memory_space<vmem>> -> memref<128x128xf32, #tpu.memory_space<vmem>>
    %dma_start3A_145 = arith.constant 0 : i32
    %dma_start3A_146 = tpu.memref_slice %arg7[%add3A_139, %dma_start3A_145] : memref<8192x128xf32, #tpu.memory_space<hbm>> -> memref<128x128xf32, #tpu.memory_space<hbm>>
    %dma_start3A_147 = arith.constant 0 : i32
    %dma_start3A_148 = tpu.memref_slice %arg7[%add3A_139, %dma_start3A_147] : memref<8192x128xf32, #tpu.memory_space<hbm>> -> memref<128x128xf32, #tpu.memory_space<hbm>>
    %dma_start3A_149 = arith.constant 0 : i32
    %dma_start3A_150 = arith.constant 0 : i32
    %dma_start3A_151 = tpu.memref_slice %arg11[%dma_start3A_140, %dma_start3A_149, %dma_start3A_150] : memref<2x128x128xf32, #tpu.memory_space<vmem>> -> memref<1x128x128xf32, #tpu.memory_space<vmem>>
    %dma_start3A_152 = tpu.memref_squeeze %dma_start3A_151 : memref<1x128x128xf32, #tpu.memory_space<vmem>> -> memref<128x128xf32, #tpu.memory_space<vmem>>
    tpu.enqueue_dma source(%dma_start3A_152 : memref<128x128xf32, #tpu.memory_space<vmem>>) target(%dma_start3A_148 : memref<128x128xf32, #tpu.memory_space<hbm>>) target_semaphore(%arg14 : memref<!tpu.dma_semaphore, #tpu.memory_space<semaphore_mem>>)
    %dma_wait3A_153 = arith.constant 0 : i32
    %dma_wait3A_154 = arith.constant 0 : i32
    %dma_wait3A_155 = arith.constant 0 : i32
    %dma_wait3A_156 = tpu.memref_slice %arg10[%dma_wait3A_153, %dma_wait3A_154, %dma_wait3A_155] : memref<2x128x128xf32, #tpu.memory_space<vmem>> -> memref<1x128x128xf32, #tpu.memory_space<vmem>>
    %dma_wait3A_157 = tpu.memref_squeeze %dma_wait3A_156 : memref<1x128x128xf32, #tpu.memory_space<vmem>> -> memref<128x128xf32, #tpu.memory_space<vmem>>
    %dma_wait3A_158 = arith.constant 0 : i32
    %dma_wait3A_159 = tpu.memref_slice %arg6[%add3A_64, %dma_wait3A_158] : memref<8192x128xf32, #tpu.memory_space<hbm>> -> memref<128x128xf32, #tpu.memory_space<hbm>>
    %dma_wait3A_160 = arith.constant 0 : i32
    %dma_wait3A_161 = tpu.memref_slice %arg6[%add3A_64, %dma_wait3A_160] : memref<8192x128xf32, #tpu.memory_space<hbm>> -> memref<128x128xf32, #tpu.memory_space<hbm>>
    %dma_wait3A_162 = arith.constant 0 : i32
    %dma_wait3A_163 = arith.constant 0 : i32
    %dma_wait3A_164 = tpu.memref_slice %arg10[%dma_wait3A_153, %dma_wait3A_162, %dma_wait3A_163] : memref<2x128x128xf32, #tpu.memory_space<vmem>> -> memref<1x128x128xf32, #tpu.memory_space<vmem>>
    %dma_wait3A_165 = tpu.memref_squeeze %dma_wait3A_164 : memref<1x128x128xf32, #tpu.memory_space<vmem>> -> memref<128x128xf32, #tpu.memory_space<vmem>>
    tpu.wait_dma2 semaphore(%arg14 : memref<!tpu.dma_semaphore, #tpu.memory_space<semaphore_mem>>) src(%dma_wait3A_165 : memref<128x128xf32, #tpu.memory_space<vmem>>) dst(%dma_wait3A_161 : memref<128x128xf32, #tpu.memory_space<hbm>>)
    %dma_wait3A_166 = arith.constant 1 : i32
    %dma_wait3A_167 = arith.constant 0 : i32
    %dma_wait3A_168 = arith.constant 0 : i32
    %dma_wait3A_169 = tpu.memref_slice %arg10[%dma_wait3A_166, %dma_wait3A_167, %dma_wait3A_168] : memref<2x128x128xf32, #tpu.memory_space<vmem>> -> memref<1x128x128xf32, #tpu.memory_space<vmem>>
    %dma_wait3A_170 = tpu.memref_squeeze %dma_wait3A_169 : memref<1x128x128xf32, #tpu.memory_space<vmem>> -> memref<128x128xf32, #tpu.memory_space<vmem>>
    %dma_wait3A_171 = arith.constant 0 : i32
    %dma_wait3A_172 = tpu.memref_slice %arg6[%add3A_89, %dma_wait3A_171] : memref<8192x128xf32, #tpu.memory_space<hbm>> -> memref<128x128xf32, #tpu.memory_space<hbm>>
    %dma_wait3A_173 = arith.constant 0 : i32
    %dma_wait3A_174 = tpu.memref_slice %arg6[%add3A_89, %dma_wait3A_173] : memref<8192x128xf32, #tpu.memory_space<hbm>> -> memref<128x128xf32, #tpu.memory_space<hbm>>
    %dma_wait3A_175 = arith.constant 0 : i32
    %dma_wait3A_176 = arith.constant 0 : i32
    %dma_wait3A_177 = tpu.memref_slice %arg10[%dma_wait3A_166, %dma_wait3A_175, %dma_wait3A_176] : memref<2x128x128xf32, #tpu.memory_space<vmem>> -> memref<1x128x128xf32, #tpu.memory_space<vmem>>
    %dma_wait3A_178 = tpu.memref_squeeze %dma_wait3A_177 : memref<1x128x128xf32, #tpu.memory_space<vmem>> -> memref<128x128xf32, #tpu.memory_space<vmem>>
    tpu.wait_dma2 semaphore(%arg14 : memref<!tpu.dma_semaphore, #tpu.memory_space<semaphore_mem>>) src(%dma_wait3A_178 : memref<128x128xf32, #tpu.memory_space<vmem>>) dst(%dma_wait3A_174 : memref<128x128xf32, #tpu.memory_space<hbm>>)
    %dma_wait3A_179 = arith.constant 0 : i32
    %dma_wait3A_180 = arith.constant 0 : i32
    %dma_wait3A_181 = arith.constant 0 : i32
    %dma_wait3A_182 = tpu.memref_slice %arg11[%dma_wait3A_179, %dma_wait3A_180, %dma_wait3A_181] : memref<2x128x128xf32, #tpu.memory_space<vmem>> -> memref<1x128x128xf32, #tpu.memory_space<vmem>>
    %dma_wait3A_183 = tpu.memref_squeeze %dma_wait3A_182 : memref<1x128x128xf32, #tpu.memory_space<vmem>> -> memref<128x128xf32, #tpu.memory_space<vmem>>
    %dma_wait3A_184 = arith.constant 0 : i32
    %dma_wait3A_185 = tpu.memref_slice %arg7[%add3A_114, %dma_wait3A_184] : memref<8192x128xf32, #tpu.memory_space<hbm>> -> memref<128x128xf32, #tpu.memory_space<hbm>>
    %dma_wait3A_186 = arith.constant 0 : i32
    %dma_wait3A_187 = tpu.memref_slice %arg7[%add3A_114, %dma_wait3A_186] : memref<8192x128xf32, #tpu.memory_space<hbm>> -> memref<128x128xf32, #tpu.memory_space<hbm>>
    %dma_wait3A_188 = arith.constant 0 : i32
    %dma_wait3A_189 = arith.constant 0 : i32
    %dma_wait3A_190 = tpu.memref_slice %arg11[%dma_wait3A_179, %dma_wait3A_188, %dma_wait3A_189] : memref<2x128x128xf32, #tpu.memory_space<vmem>> -> memref<1x128x128xf32, #tpu.memory_space<vmem>>
    %dma_wait3A_191 = tpu.memref_squeeze %dma_wait3A_190 : memref<1x128x128xf32, #tpu.memory_space<vmem>> -> memref<128x128xf32, #tpu.memory_space<vmem>>
    tpu.wait_dma2 semaphore(%arg14 : memref<!tpu.dma_semaphore, #tpu.memory_space<semaphore_mem>>) src(%dma_wait3A_191 : memref<128x128xf32, #tpu.memory_space<vmem>>) dst(%dma_wait3A_187 : memref<128x128xf32, #tpu.memory_space<hbm>>)
    %dma_wait3A_192 = arith.constant 1 : i32
    %dma_wait3A_193 = arith.constant 0 : i32
    %dma_wait3A_194 = arith.constant 0 : i32
    %dma_wait3A_195 = tpu.memref_slice %arg11[%dma_wait3A_192, %dma_wait3A_193, %dma_wait3A_194] : memref<2x128x128xf32, #tpu.memory_space<vmem>> -> memref<1x128x128xf32, #tpu.memory_space<vmem>>
    %dma_wait3A_196 = tpu.memref_squeeze %dma_wait3A_195 : memref<1x128x128xf32, #tpu.memory_space<vmem>> -> memref<128x128xf32, #tpu.memory_space<vmem>>
    %dma_wait3A_197 = arith.constant 0 : i32
    %dma_wait3A_198 = tpu.memref_slice %arg7[%add3A_139, %dma_wait3A_197] : memref<8192x128xf32, #tpu.memory_space<hbm>> -> memref<128x128xf32, #tpu.memory_space<hbm>>
    %dma_wait3A_199 = arith.constant 0 : i32
    %dma_wait3A_200 = tpu.memref_slice %arg7[%add3A_139, %dma_wait3A_199] : memref<8192x128xf32, #tpu.memory_space<hbm>> -> memref<128x128xf32, #tpu.memory_space<hbm>>
    %dma_wait3A_201 = arith.constant 0 : i32
    %dma_wait3A_202 = arith.constant 0 : i32
    %dma_wait3A_203 = tpu.memref_slice %arg11[%dma_wait3A_192, %dma_wait3A_201, %dma_wait3A_202] : memref<2x128x128xf32, #tpu.memory_space<vmem>> -> memref<1x128x128xf32, #tpu.memory_space<vmem>>
    %dma_wait3A_204 = tpu.memref_squeeze %dma_wait3A_203 : memref<1x128x128xf32, #tpu.memory_space<vmem>> -> memref<128x128xf32, #tpu.memory_space<vmem>>
    tpu.wait_dma2 semaphore(%arg14 : memref<!tpu.dma_semaphore, #tpu.memory_space<semaphore_mem>>) src(%dma_wait3A_204 : memref<128x128xf32, #tpu.memory_space<vmem>>) dst(%dma_wait3A_200 : memref<128x128xf32, #tpu.memory_space<hbm>>)
    return
  }
}

module attributes {stable_mosaic.version = 14 : i64} {
  func.func @_mlp_body(%arg0: i32, %arg1: memref<4096x128xf32, #tpu.memory_space<vmem>>, %arg2: memref<4096x128xf32, #tpu.memory_space<vmem>>, %arg3: memref<128x128xf32, #tpu.memory_space<vmem>>, %arg4: memref<128x128xf32, #tpu.memory_space<vmem>>, %arg5: memref<1x128xf32, #tpu.memory_space<vmem>>, %arg6: memref<128x64xf32, #tpu.memory_space<vmem>>, %arg7: memref<1x64xf32, #tpu.memory_space<vmem>>, %arg8: memref<64x1xf32, #tpu.memory_space<vmem>>, %arg9: memref<1x1xf32, #tpu.memory_space<vmem>>, %arg10: memref<4096x1xf32, #tpu.memory_space<vmem>>) attributes {dimension_semantics = [#tpu.dimension_semantics<arbitrary>], iteration_bounds = array<i64: 2>, scalar_prefetch = 0 : i64, scratch_operands = 0 : i64, tpu.core_type = #tpu.core_type<tc>, window_params = [{transform_indices = @transform_0, window_bounds = array<i64: 4096, 128>}, {transform_indices = @transform_1, window_bounds = array<i64: 4096, 128>}, {transform_indices = @transform_2, window_bounds = array<i64: 128, 128>}, {transform_indices = @transform_3, window_bounds = array<i64: 128, 128>}, {pipeline_mode = #tpu.pipeline_mode<synchronous>, transform_indices = @transform_4, window_bounds = array<i64: 1, 128>}, {pipeline_mode = #tpu.pipeline_mode<synchronous>, transform_indices = @transform_5, window_bounds = array<i64: 128, 64>}, {pipeline_mode = #tpu.pipeline_mode<synchronous>, transform_indices = @transform_6, window_bounds = array<i64: 1, 64>}, {pipeline_mode = #tpu.pipeline_mode<synchronous>, transform_indices = @transform_7, window_bounds = array<i64: 64, 1>}, {pipeline_mode = #tpu.pipeline_mode<synchronous>, transform_indices = @transform_8, window_bounds = array<i64: 1, 1>}, {transform_indices = @transform_9, window_bounds = array<i64: 4096, 1>}]} {
    %get3A = arith.constant 0 : index
    %get3A_0 = arith.constant 0 : index
    %get3A_1 = vector.load %arg1[%get3A, %get3A_0] : memref<4096x128xf32, #tpu.memory_space<vmem>>, vector<4096x128xf32>
    %get3A_2 = arith.constant 0 : index
    %get3A_3 = arith.constant 0 : index
    %get3A_4 = vector.load %arg3[%get3A_2, %get3A_3] : memref<128x128xf32, #tpu.memory_space<vmem>>, vector<128x128xf32>
    %dot_general3A = arith.constant dense<0.000000e+00> : vector<4096x128xf32>
    %dot_general3A_5 = tpu.matmul %get3A_1, %get3A_4, %dot_general3A {dimension_numbers = #tpu.dot_dimension_numbers<[1], [0], [0], [1], [0, 0, 1, 1], [], []>, transpose_lhs_hint = false} : vector<4096x128xf32>, vector<128x128xf32>, vector<4096x128xf32> -> vector<4096x128xf32>
    %get3A_6 = arith.constant 0 : index
    %get3A_7 = arith.constant 0 : index
    %get3A_8 = vector.load %arg2[%get3A_6, %get3A_7] : memref<4096x128xf32, #tpu.memory_space<vmem>>, vector<4096x128xf32>
    %get3A_9 = arith.constant 0 : index
    %get3A_10 = arith.constant 0 : index
    %get3A_11 = vector.load %arg4[%get3A_9, %get3A_10] : memref<128x128xf32, #tpu.memory_space<vmem>>, vector<128x128xf32>
    %dot_general3A_12 = arith.constant dense<0.000000e+00> : vector<4096x128xf32>
    %dot_general3A_13 = tpu.matmul %get3A_8, %get3A_11, %dot_general3A_12 {dimension_numbers = #tpu.dot_dimension_numbers<[1], [0], [0], [1], [0, 0, 1, 1], [], []>, transpose_lhs_hint = false} : vector<4096x128xf32>, vector<128x128xf32>, vector<4096x128xf32> -> vector<4096x128xf32>
    %add3A = arith.addf %dot_general3A_5, %dot_general3A_13 : vector<4096x128xf32>
    %get3A_14 = arith.constant 0 : index
    %get3A_15 = arith.constant 0 : index
    %get3A_16 = vector.load %arg5[%get3A_14, %get3A_15] : memref<1x128xf32, #tpu.memory_space<vmem>>, vector<1x128xf32>
    %add3A_17 = vector.broadcast %get3A_16 : vector<1x128xf32> to vector<4096x128xf32>
    %add3A_18 = arith.addf %add3A, %add3A_17 : vector<4096x128xf32>
    %max3A = arith.constant 0.000000e+00 : f32
    %max3A_19 = vector.broadcast %max3A : f32 to vector<4096x128xf32>
    %max3A_20 = arith.maximumf %add3A_18, %max3A_19 : vector<4096x128xf32>
    %get3A_21 = arith.constant 0 : index
    %get3A_22 = arith.constant 0 : index
    %get3A_23 = vector.load %arg6[%get3A_21, %get3A_22] : memref<128x64xf32, #tpu.memory_space<vmem>>, vector<128x64xf32>
    %dot_general3A_24 = arith.constant dense<0.000000e+00> : vector<4096x64xf32>
    %dot_general3A_25 = tpu.matmul %max3A_20, %get3A_23, %dot_general3A_24 {dimension_numbers = #tpu.dot_dimension_numbers<[1], [0], [0], [1], [0, 0, 1, 1], [], []>, transpose_lhs_hint = false} : vector<4096x128xf32>, vector<128x64xf32>, vector<4096x64xf32> -> vector<4096x64xf32>
    %get3A_26 = arith.constant 0 : index
    %get3A_27 = arith.constant 0 : index
    %get3A_28 = vector.load %arg7[%get3A_26, %get3A_27] : memref<1x64xf32, #tpu.memory_space<vmem>>, vector<1x64xf32>
    %add3A_29 = vector.broadcast %get3A_28 : vector<1x64xf32> to vector<4096x64xf32>
    %add3A_30 = arith.addf %dot_general3A_25, %add3A_29 : vector<4096x64xf32>
    %max3A_31 = arith.constant 0.000000e+00 : f32
    %max3A_32 = vector.broadcast %max3A_31 : f32 to vector<4096x64xf32>
    %max3A_33 = arith.maximumf %add3A_30, %max3A_32 : vector<4096x64xf32>
    %get3A_34 = arith.constant 0 : index
    %get3A_35 = arith.constant 0 : index
    %get3A_36 = vector.load %arg8[%get3A_34, %get3A_35] : memref<64x1xf32, #tpu.memory_space<vmem>>, vector<64x1xf32>
    %dot_general3A_37 = arith.constant dense<0.000000e+00> : vector<4096x1xf32>
    %dot_general3A_38 = tpu.matmul %max3A_33, %get3A_36, %dot_general3A_37 {dimension_numbers = #tpu.dot_dimension_numbers<[1], [0], [0], [1], [0, 0, 1, 1], [], []>, transpose_lhs_hint = false} : vector<4096x64xf32>, vector<64x1xf32>, vector<4096x1xf32> -> vector<4096x1xf32>
    %get3A_39 = arith.constant 0 : index
    %get3A_40 = arith.constant 0 : index
    %get3A_41 = vector.load %arg9[%get3A_39, %get3A_40] : memref<1x1xf32, #tpu.memory_space<vmem>>, vector<1x1xf32>
    %add3A_42 = vector.broadcast %get3A_41 : vector<1x1xf32> to vector<4096x1xf32>
    %add3A_43 = arith.addf %dot_general3A_38, %add3A_42 : vector<4096x1xf32>
    %swap3A = arith.constant 0 : index
    %swap3A_44 = arith.constant 0 : index
    %swap3A_45 = vector.load %arg10[%swap3A, %swap3A_44] : memref<4096x1xf32, #tpu.memory_space<vmem>>, vector<4096x1xf32>
    tpu.vector_store %arg10[%swap3A, %swap3A_44], %add3A_43 {strides = array<i32>} : memref<4096x1xf32, #tpu.memory_space<vmem>>, vector<4096x1xf32>,
    return
  }
  func.func @transform_0(%arg0: i32) -> (i32, i32) {
    %c0_i32 = arith.constant 0 : i32
    %c0_i32_0 = arith.constant 0 : i32
    return %arg0, %c0_i32 : i32, i32
  }
  func.func @transform_1(%arg0: i32) -> (i32, i32) {
    %c0_i32 = arith.constant 0 : i32
    %c0_i32_0 = arith.constant 0 : i32
    return %arg0, %c0_i32 : i32, i32
  }
  func.func @transform_2(%arg0: i32) -> (i32, i32) {
    %c0_i32 = arith.constant 0 : i32
    %c0_i32_0 = arith.constant 0 : i32
    %c0_i32_1 = arith.constant 0 : i32
    return %c0_i32, %c0_i32_0 : i32, i32
  }
  func.func @transform_3(%arg0: i32) -> (i32, i32) {
    %c1_i32 = arith.constant 1 : i32
    %c0_i32 = arith.constant 0 : i32
    %c0_i32_0 = arith.constant 0 : i32
    return %c1_i32, %c0_i32 : i32, i32
  }
  func.func @transform_4(%arg0: i32) -> (i32, i32) {
    %c0_i32 = arith.constant 0 : i32
    %c0_i32_0 = arith.constant 0 : i32
    %c0_i32_1 = arith.constant 0 : i32
    return %c0_i32, %c0_i32_0 : i32, i32
  }
  func.func @transform_5(%arg0: i32) -> (i32, i32) {
    %c0_i32 = arith.constant 0 : i32
    %c0_i32_0 = arith.constant 0 : i32
    %c0_i32_1 = arith.constant 0 : i32
    return %c0_i32, %c0_i32_0 : i32, i32
  }
  func.func @transform_6(%arg0: i32) -> (i32, i32) {
    %c0_i32 = arith.constant 0 : i32
    %c0_i32_0 = arith.constant 0 : i32
    %c0_i32_1 = arith.constant 0 : i32
    return %c0_i32, %c0_i32_0 : i32, i32
  }
  func.func @transform_7(%arg0: i32) -> (i32, i32) {
    %c0_i32 = arith.constant 0 : i32
    %c0_i32_0 = arith.constant 0 : i32
    %c0_i32_1 = arith.constant 0 : i32
    return %c0_i32, %c0_i32_0 : i32, i32
  }
  func.func @transform_8(%arg0: i32) -> (i32, i32) {
    %c0_i32 = arith.constant 0 : i32
    %c0_i32_0 = arith.constant 0 : i32
    %c0_i32_1 = arith.constant 0 : i32
    return %c0_i32, %c0_i32_0 : i32, i32
  }
  func.func @transform_9(%arg0: i32) -> (i32, i32) {
    %c0_i32 = arith.constant 0 : i32
    %c0_i32_0 = arith.constant 0 : i32
    return %arg0, %c0_i32 : i32, i32
  }
}

</mosaic_0001>

<sc_bundles>
// kernel: kernel.6.cloned.1.call-start
scs
__scs_entry_jumppad:
0x0: {  	(pc) =	sbr.rel $0x88, $3  }
0x1: {  	(tag) =	ssettag $0x0;
	lr =	simm.s32 $0x1  }
0x2: {  	[smem:$0x3F97] =	sst lr;
	_ =	strace $0xD0000000  }
0x3: {  	_ = 	snop  }
0x4: {  	_ = 	snop  }
0x5: {  	_ = 	snop  }
0x6: {  	_ = 	snop  }
0x7: {  	_ = 	snop  }
__scs_overlays_trampoline_lowered:
0x8: {  	[smem:$0x3FA6] =	sst s0  }
0x9: {  	[smem:$0x3FA7] =	sst s1  }
0xa: {  	[smem:$0x3FA8] =	sst s2  }
0xb: {  	[smem:$0x3FA9] =	sst s3  }
0xc: {  	[smem:$0x3FAA] =	sst s4  }
0xd: {  	[smem:$0x3FAB] =	sst s5  }
0xe: {  	[smem:$0x3FAC] =	sst s6  }
0xf: {  	[smem:$0x3FAD] =	sst s7  }
0x10: {  	[smem:$0x3FAE] =	sst s8  }
0x11: {  	[smem:$0x3FAF] =	sst s9;
	s0 =	simm.s32 @!p0 $0x0  }
0x12: {  	s1 =	sld [smem:$0x3F95];
	s0 =	simm.s32 @p0 $0x1  }
0x13: {  	[smem:$0x3FB0] =	sst s0;
	s0 =	simm.s32 @!p1 $0x0  }
0x14: {  	s2 =	sld [smem:$0x3F94];
	s0 =	simm.s32 @p1 $0x1  }
0x15: {  	[smem:$0x3FB1] =	sst s0;
	s0 =	simm.s32 @!p2 $0x0  }
0x16: {  	s3 =	sld [smem:$0x3FDB];
	s0 =	simm.s32 @p2 $0x1  }
0x17: {  	s4 =	simm.s32 $0x1BF5;
	[smem:$0x3FB3] =	sst s0  }
0x18: {  	s0 =	sld [smem:$0x3F96];
	_ =	swait.ge [sflag:s4], $0x0  }
0x19: {  	s7 =	sld [smem:$0x3F97]  }
0x1a: {  	s8 =	sadd.s32 $0xFFFFE003, lr  }
0x1b: {  	s9 =	sadd.s32 $0xFFFFFEF7, lr;
	s5 =	simm.s32 $0xFFFFFFFF;
	p2 =	slt.u32 s8, $0xFFFFF086  }
0x1c: {  	p1 =	slt.u32 s9, $0xF7A;
	s5 =	simm.s32 @!p2 $0x0  }
0x1d: {  	s5 =	simm.s32 @p1 $0x1;
	p0 =	seq.s32 s7, s2  }
0x1e: {  	s7 =	smul.u32 @!p0 $0xF7A, s2;
	p2 =	seq.s32 @!p0 s5, $0x0  }
0x1f: {  	s9 =	smul.u32 $0xF7A, s1;
	s8 =	simm.s32 @!p0 $0x1BF5;
	p2 =	por !p2, p0  }
0x20: {  	[sflag:s8] =	ssyncset.s32 @!p0 $0xFFFFF086;
	s6 =	sadd.s32 @!p0 s3, s7;
	s7 =	simm.s32 @!p0 $0x108  }
0x21: {  	s3 =	sadd.s32 s3, s9;
	s6 =	sadd.s32 @!p0 $0x88, s6;
	s7 =	simm.s32 @p2 $0x1082  }
0x22: {  	[simem:s7], [sflag:s8] =	dma.local @!p0 [hbm:s6], $0xF7A  }
0x23: {  	s9 =	sor.u32 $0xD0000000, s2;
	s6 =	simm.s32 $0x108;
	_ =	swait.ge @!p0 [sflag:s8], $0x0  }
0x24: {  	s3 =	sadd.s32 $0x88, s3;
	s6 =	simm.s32 @!p1 $0x1082;
	[sflag:s4] =	ssyncset.s32 $0xFFFFF086  }
0x25: {  	[simem:s6], [sflag:s4] =	dma.local [hbm:s3], $0xF7A  }
0x26: {  	[smem:$0x3F97] =	sst s1;
	(tag) =	ssettag s2;
	_ =	strace s9  }
0x27: {  	s1 =	sld [smem:$0x3FA7]  }
0x28: {  	s2 =	sld [smem:$0x3FA8]  }
0x29: {  	s4 =	sld [smem:$0x3FAA]  }
0x2a: {  	p0 =	seq.s32 s5, $0x0;
	s5 =	sld [smem:$0x3FAB]  }
0x2b: {  	s6 =	sld [smem:$0x3FAC]  }
0x2c: {  	s7 =	sld [smem:$0x3FAD]  }
0x2d: {  	s3 =	simm.s32 $0x108;
	s8 =	sld [smem:$0x3FAE]  }
0x2e: {  	s3 =	simm.s32 @!p0 $0x1082;
	s9 =	sld [smem:$0x3FAF]  }
0x2f: {  	lr =	sadd.s32 s0, s3;
	s0 =	sld [smem:$0x3FA6]  }
0x30: {  	s3 =	sld [smem:$0x3FA9]  }
0x31: {  	[smem:$0x3FB2] =	sst s10  }
0x32: {  	s10 =	sld [smem:$0x3FB0];
	_ =	sdelay $0x3  }
0x33: {  	p0 =	seq.s32 s10, $0x1;
	s10 =	sld [smem:$0x3FB2];
	_ =	sdelay $0x3  }
0x34: {  	[smem:$0x3FB2] =	sst s10  }
0x35: {  	s10 =	sld [smem:$0x3FB1];
	_ =	sdelay $0x3  }
0x36: {  	p1 =	seq.s32 s10, $0x1;
	s10 =	sld [smem:$0x3FB2];
	_ =	sdelay $0x3  }
0x37: {  	[smem:$0x3FB2] =	sst s10  }
0x38: {  	s10 =	sld [smem:$0x3FB3]  }
0x39: {  	_ = 	snop;
	(pc) =	sbr.ind lr, $3  }
0x3a: {  	_ = 	snop  }
0x3b: {  	_ = 	snop  }
0x3c: {  	p2 =	seq.s32 s10, $0x1;
	s10 =	sld [smem:$0x3FB2]  }
0x3d: {  	_ =	shalt  }
0x3e: {  	_ =	shalt  }
0x3f: {  	_ =	shalt  }
0x40: {  	_ =	shalt  }
0x41: {  	_ =	shalt  }
0x42: {  	_ =	shalt  }
0x43: {  	_ =	shalt  }
0x44: {  	_ =	shalt  }
0x45: {  	_ =	shalt  }
0x46: {  	_ =	shalt  }
0x47: {  	_ =	shalt  }
0x48: {  	_ =	shalt  }
0x49: {  	_ =	shalt  }
0x4a: {  	_ =	shalt  }
0x4b: {  	_ =	shalt  }
0x4c: {  	_ =	shalt  }
0x4d: {  	_ =	shalt  }
0x4e: {  	_ =	shalt  }
0x4f: {  	_ =	shalt  }
0x50: {  	_ =	shalt  }
0x51: {  	_ =	shalt  }
0x52: {  	_ =	shalt  }
0x53: {  	_ =	shalt  }
0x54: {  	_ =	shalt  }
0x55: {  	_ =	shalt  }
0x56: {  	_ =	shalt  }
0x57: {  	_ =	shalt  }
0x58: {  	_ =	shalt  }
0x59: {  	_ =	shalt  }
0x5a: {  	_ =	shalt  }
0x5b: {  	_ =	shalt  }
0x5c: {  	_ =	shalt  }
0x5d: {  	_ =	shalt  }
0x5e: {  	_ =	shalt  }
0x5f: {  	_ =	shalt  }
0x60: {  	_ =	shalt  }
0x61: {  	_ =	shalt  }
0x62: {  	_ =	shalt  }
0x63: {  	_ =	shalt  }
0x64: {  	_ =	shalt  }
0x65: {  	_ =	shalt  }
0x66: {  	_ =	shalt  }
0x67: {  	_ =	shalt  }
0x68: {  	_ =	shalt  }
0x69: {  	_ =	shalt  }
0x6a: {  	_ =	shalt  }
0x6b: {  	_ =	shalt  }
0x6c: {  	_ =	shalt  }
0x6d: {  	_ =	shalt  }
0x6e: {  	_ =	shalt  }
0x6f: {  	_ =	shalt  }
0x70: {  	_ =	shalt  }
0x71: {  	_ =	shalt  }
0x72: {  	_ =	shalt  }
0x73: {  	_ =	shalt  }
0x74: {  	_ =	shalt  }
0x75: {  	_ =	shalt  }
0x76: {  	_ =	shalt  }
0x77: {  	_ =	shalt  }
0x78: {  	_ =	shalt  }
0x79: {  	_ =	shalt  }
0x7a: {  	_ =	shalt  }
0x7b: {  	_ =	shalt  }
0x7c: {  	_ =	shalt  }
0x7d: {  	_ =	shalt  }
0x7e: {  	_ =	shalt  }
0x7f: {  	_ =	shalt  }
0x80: {  	_ =	shalt  }
0x81: {  	_ =	shalt  }
0x82: {  	_ =	shalt  }
0x83: {  	_ =	shalt  }
0x84: {  	_ =	shalt  }
0x85: {  	_ =	shalt  }
0x86: {  	_ =	shalt  }
0x87: {  	_ =	shalt  }
.Lfunc_end0:
.L_simem_size_0:
called_computation_lowered:
.L_overlay_start_0:
0x88: {  	s2 =	sld [smem:$0x3FD9]  }
0x89: {  	s3 =	sld [smem:$0x3FFE];
	_ =	sdelay $0x1  }
0x8a: {  	s1 =	srdreg.scid  }
0x8b: {  	s0 =	sand.u32 $0x1, s1  }
0x8c: {  	s17 =	sshll.u32 s0, $0xA;
	s2 =	sadd.s32 s3, s2  }
0x8d: {  	s2 =	sadd.s32 s2, s17  }
0x8e: {  	[smem:$0x3FBE] =	sst s2  }
0x8f: {  	_ = 	snop  }
0x90: {  	s18 =	sld [smem:$0x3FC9]  }
0x91: {  	s4 =	sld [smem:$0x3FC8]  }
0x92: {  	s5 =	sld [smem:$0x3FC7]  }
0x93: {  	s6 =	sld [smem:$0x3FC6];
	(tm) =	ssettm $0x1  }
0x94: {  	s19 =	sld [smem:$0x3FFB];
	_ =	sdelay $0x3  }
0x95: {  	_ =	strace s19  }
0x96: {  	s2 =	sld [smem:$0x3FFC];
	_ =	sdelay $0x3  }
0x97: {  	_ =	strace s2  }
0x98: {  	s2 =	sld [smem:$0x3FFD];
	_ =	sdelay $0x3  }
0x99: {  	_ =	strace s2  }
0x9a: {  	_ =	strace $0x8FFFFFFF  }
0x9b: {  	s20 =	sld [smem:$0x3FDB];
	_ =	sdelay $0x1  }
0x9c: {  	s7 =	simm.s32 $_scs_section_size  }
0x9d: {  	s8 =	simm.s32 $_size__tile_overlayer_lowered;
	s9 =	simm.s32 $_tile_overlayer_lowered  }
0x9e: {  	s10 =	simm.s32 $0x1BFF;
	s21 =	sshll.u32 s9, $0x1;
	s7 =	sadd.s32 s7, s20  }
0x9f: {  	s22 =	simm.s32 $0x0;
	s8 =	sshll.u32 s8, $0x1;
	s9 =	sadd.s32 s21, s7  }
0xa0: {  	[timem:s22], [sflag:s10] =	dma.local [hbm:s9], s8  }
0xa1: {  	_ =	swait.ge [sflag:s10], s8  }
0xa2: {  	s8 =	ssub.s32 $0x0, s8;
	[sflag:s10] =	ssyncset.done $0x0  }
0xa3: {  	[sflag:s10] =	ssyncadd.s32 s8;
	_ =	sdelay $0x1  }
0xa4: {  	s23 =	simm.s32 $0x1B8B  }
0xa5: {  	_ =	swait.ge [sflag:s23], $0x1  }
0xa6: {  	[sflag:s23] =	ssyncset.done $0x0  }
0xa7: {  	[sflag:s23] =	ssyncadd.s32 $0xFFFFFFFF  }
0xa8: {  	s8 =	sld [smem:$0x0]  }
0xa9: {  	s9 =	sand.u32 $0xFFFFFFFE, s1  }
0xaa: {  	p0 =	sne.s32 s1, s9  }
0xab: {  	s9 =	sshll.u32 @p0 s9, $0xE  }
0xac: {  	s9 =	sadd.s32 @p0 $0x11B8D, s9;
	s10 =	sshll.u32 @p0 s8, $0x11  }
0xad: {  	s9 =	sor.u32 @p0 s10, s9  }
0xae: {  	[sflag:s9] =	ssyncadd.remote.s32 @p0 $0x1;
	_ =	sdelay $0x1  }
0xaf: {  	s9 =	simm.s32 @p0 $0x1B8D  }
0xb0: {  	_ =	swait.eq @p0 [sflag:s9], $0x1  }
0xb1: {  	[sflag:s9] =	ssyncadd.s32 @p0 $0xFFFFFFFF  }
0xb2: {  	s10 =	sshll.u32 @!p0 s1, $0xE  }
0xb3: {  	s10 =	sor.u32 @!p0 $0x4000, s10;
	s9 =	simm.s32 @!p0 $0x1B8D  }
0xb4: {  	s8 =	sshll.u32 @!p0 s8, $0x11;
	s10 =	sadd.s32 @!p0 $0x11B8D, s10;
	_ =	swait.eq @!p0 [sflag:s9], $0x1  }
0xb5: {  	s8 =	sor.u32 @!p0 s8, s10;
	[sflag:s9] =	ssyncadd.s32 @!p0 $0xFFFFFFFF  }
0xb6: {  	s25 =	simm.s32 $0x1B8E;
	s24 =	sld [smem:$0x3FFE];
	[sflag:s8] =	ssyncadd.remote.s32 @!p0 $0x1  }
0xb7: {  	s26 =	simm.s32 $execute0_lowered;
	[smem:$0x3FD2] =	sst s25  }
0xb8: {  	s9 =	sshll.u32 s26, $0x1;
	_ =	strace $0x80000049;
	[dreg:$0x1] =	wrdreg $0xFFFFFFFF  }
0xb9: {  	s28 =	simm.s32 $_size_execute0_lowered;
	s7 =	sadd.s32 s7, s9;
	[dreg:$0x0] =	wrdreg $0x0  }
0xba: {  	s9 =	sshll.u32 s28, $0x1;
	[dreg:$0x2] =	wrdreg s7  }
0xbb: {  	[dreg:$0x3] =	wrdreg s9  }
0xbc: {  	[dreg:$0x4] =	wrdreg $0xC0  }
0xbd: {  	_ =	task [dreg:s22], $0x5FFFF  }
0xbe: {  	[dreg:$0x1] =	wrdreg $0xFFFFFFFF  }
0xbf: {  	[dreg:$0x0] =	wrdreg $0x60  }
0xc0: {  	[dreg:$0x2] =	wrdreg s18  }
0xc1: {  	[dreg:$0x3] =	wrdreg s4  }
0xc2: {  	[dreg:$0x4] =	wrdreg s5  }
0xc3: {  	[dreg:$0x5] =	wrdreg s6  }
0xc4: {  	[dreg:$0x6] =	wrdreg s24  }
0xc5: {  	[dreg:$0x7] =	wrdreg $0x9  }
0xc6: {  	_ =	task.clear_ibuf [dreg:s22], $0x8FFFF;
	_ =	strace $0x90000049  }
0xc7: {  	s29 =	simm.s32 $0x9;
	_ =	strace $0x8000004B  }
0xc8: {  	_ =	swait.ge [sflag:s29], $0x1  }
0xc9: {  	[sflag:s29] =	ssyncadd.s32 $0xFFFFFFFF  }
0xca: {  	_ =	strace $0x9000004B  }
0xcb: {  	_ =	sfence  }
0xcc: {  	s30 =	sld [smem:$0x0];
	_ =	sdelay $0x2  }
0xcd: {  	s31 =	sshll.u32 s1, $0xD;
	s1 =	sshrl.u32 s1, $0x2  }
0xce: {  	s4 =	sand.u32 $0x4000, s31;
	s1 =	sadd.s32 s1, s30  }
0xcf: {  	s0 =	sor.u32 s4, s0;
	s1 =	sshll.u32 s1, $0x11  }
0xd0: {  	s0 =	sor.u32 s1, s0  }
0xd1: {  	s0 =	sadd.s32 $0x8F2B, s0  }
0xd2: {  	[sflag:s0] =	ssyncadd.remote.s32 $0x1  }
0xd3: {  	_ =	sfence.sel $0xFFFF  }
0xd4: {  	[dreg:$0x0] =	wrdreg $0xFFFFFFFF;
	(pc) =	sbr.abs _section_cstart, $3  }
0xd5: {  	[dreg:$0x1] =	wrdreg $0xFFFFFFFF  }
0xd6: {  	_ =	task.clear_ibuf [dreg:s22], $0x2FFFF;
	_ =	strace $0x9FFFFFFF  }
0xd7: {  	(tm) =	ssettm $0x7FFFFFFF  }
tec
execute0_lowered:
.L_overlay_start_1:
0x0: {  	(tag) =	ssettag $0x1  }
0x1: {  	s5 =	rddreg [dreg:$0x0]  }
0x2: {  	s6 =	rddreg [dreg:$0x1];
	s2 =	srdreg.scid  }
0x3: {  	s1 =	rddreg [dreg:$0x2];
	s0 =	stileid.u32;
	s21 =	sand.u32 $0x1, s2  }
0x4: {  	s3 =	rddreg [dreg:$0x3];
	s7 =	sshll.u32 s0, $0x9;
	s8 =	sshll.u32 s21, $0x8  }
0x5: {  	s18 =	rddreg [dreg:$0x4];
	s4 =	simm.s32 $0x0;
	s16 =	sor.u32 s8, s7  }
0x6: {  	[smem:$0x7FF] =	sst s4;
	s7 =	sshrl.u32 s16, $0x3  }
0x7: {  	s2 =	rddreg [dreg:$0x5];
	_ =	strace $0x8000004A;
	s5 =	sadd.s32 s5, s7  }
0x8: {  	[tilespmem:s4], [sflag:$0x1] =	stream.linear.gather [hbm4b:s5+s4], $0x100, $0x38;
	[tilespmem:$0x10200] =	vst v63  }
0x9: {  	s8 =	simm.s32 $0x1;
	s6 =	sadd.s32 s6, s7;
	s7 =	simm.s32 $0x100  }
0xa: {  	[tilespmem:s7], [sflag:$0x2] =	stream.linear.gather [hbm4b:s6+s4], $0x100, $0x38;
	[tilespmem:$0x10200] =	vst v63  }
0xb: {  	_ =	swait.ge [sflag:s8], $0x100  }
0xc: {  	[sflag:s8] =	ssyncset.done $0x0  }
0xd: {  	s9 =	simm.s32 $0x2;
	[sflag:s8] =	ssyncadd.s32 $0xFFFFFF00  }
0xe: {  	_ =	swait.ge [sflag:s9], $0x100  }
0xf: {  	[sflag:s9] =	ssyncset.done $0x0  }
0x10: {  	s10 =	simm.s32 $0x80;
	s11 =	simm.s32 $0x200;
	[sflag:s9] =	ssyncadd.s32 $0xFFFFFF00  }
0x11: {  	[tilespmem:s11], [sflag:$0x1] =	stream.indirect.gather [hbm4b:s1+s10], $0x80, s4, s10, $0xb8;
	[tilespmem:$0x10200] =	vst v63  }
0x12: {  	s12 =	simm.s32 $0x4200  }
0x13: {  	[tilespmem:s12], [sflag:$0x1] =	stream.indirect.gather [hbm4b:s1+s10], $0x80, s10, s10, $0xb8;
	[tilespmem:$0x10200] =	vst v63  }
0x14: {  	s13 =	simm.s32 $0x8200  }
0x15: {  	[tilespmem:s13], [sflag:$0x2] =	stream.indirect.gather [hbm4b:s3+s10], $0x80, s7, s10, $0xb8;
	[tilespmem:$0x10200] =	vst v63  }
0x16: {  	s14 =	simm.s32 $0x180;
	s15 =	simm.s32 $0xC200  }
0x17: {  	[tilespmem:s15], [sflag:$0x2] =	stream.indirect.gather [hbm4b:s3+s10], $0x80, s14, s10, $0xb8;
	[tilespmem:$0x10200] =	vst v63  }
0x18: {  	_ =	swait.ge [sflag:s8], $0x4000  }
0x19: {  	s17 =	sadd.s32 $0x42200, s18;
	s19 =	sshll.u32 s16, $0x4;
	[sflag:s8] =	ssyncset.done $0x0  }
0x1a: {  	s16 =	sadd.s32 s17, s19;
	[sflag:s8] =	ssyncadd.s32 $0xFFFFC000  }
0x1b: {  	[hbm4b:s16+s4] =	stream.linear.scatter [tilespmem:s11], [sflag:$0x3], $0x4000, $0x38;
	[tilespmem:$0x10200] =	vst v63  }
0x1c: {  	_ =	swait.ge [sflag:s8], $0x4000  }
0x1d: {  	s20 =	sor.u32 $0x800, s19;
	[sflag:s8] =	ssyncset.done $0x0  }
0x1e: {  	s17 =	sadd.s32 s17, s20;
	[sflag:s8] =	ssyncadd.s32 $0xFFFFC000  }
0x1f: {  	[hbm4b:s17+s4] =	stream.linear.scatter [tilespmem:s12], [sflag:$0x3], $0x4000, $0x38;
	[tilespmem:$0x10200] =	vst v63  }
0x20: {  	_ =	swait.ge [sflag:s9], $0x4000  }
0x21: {  	s22 =	sadd.s32 $0x62200, s18;
	[sflag:s9] =	ssyncset.done $0x0  }
0x22: {  	s18 =	sadd.s32 s22, s19;
	[sflag:s9] =	ssyncadd.s32 $0xFFFFC000  }
0x23: {  	[hbm4b:s18+s4] =	stream.linear.scatter [tilespmem:s13], [sflag:$0x3], $0x4000, $0x38;
	[tilespmem:$0x10200] =	vst v63  }
0x24: {  	_ =	swait.ge [sflag:s9], $0x4000  }
0x25: {  	[sflag:s9] =	ssyncset.done $0x0  }
0x26: {  	s19 =	simm.s32 $0x3;
	s20 =	sadd.s32 s22, s20;
	[sflag:s9] =	ssyncadd.s32 $0xFFFFC000  }
0x27: {  	[hbm4b:s20+s4] =	stream.linear.scatter [tilespmem:s15], [sflag:$0x3], $0x4000, $0x38;
	[tilespmem:$0x10200] =	vst v63  }
0x28: {  	_ =	swait.ge [sflag:s19], $0x4000  }
0x29: {  	s21 =	ssub.s32 $0x2, s21;
	[sflag:s19] =	ssyncset.done $0x0  }
0x2a: {  	s31 =	sshrl.u32 s21, $0x1;
	[sflag:s19] =	ssyncadd.s32 $0xFFFFC000  }
0x2b: {  	s21 =	ssub.s32 s21, s31;
	_ =	swait.ge [sflag:s19], $0x4000  }
0x2c: {  	s21 =	smax.u32 s21, $0x1;
	[sflag:s19] =	ssyncset.done $0x0  }
0x2d: {  	p0 =	sne.s32 s21, $0x1;
	[sflag:s19] =	ssyncadd.s32 $0xFFFFC000  }
.Ltmp0:
0x2e: {  	_ =	swait.ge [sflag:s19], $0x4000;
	(pc) =	sbr.rel @!p0 .LBB2_2-.Ltmp0, $4  }
0x2f: {  	[sflag:s19] =	ssyncset.done $0x0  }
0x30: {  	[sflag:s19] =	ssyncadd.s32 $0xFFFFC000  }
0x31: {  	_ =	swait.ge [sflag:s19], $0x4000  }
0x32: {  	s21 =	sadd.s32 $0xFFFFFFFF, s21;
	[sflag:s19] =	ssyncset.done $0x0  }
.LBB2_1:
0x33: {  	p0 =	sne.s32 s21, $0x1;
	s21 =	sadd.s32 $0xFFFFFFFF, s21;
	[sflag:s19] =	ssyncadd.s32 $0xFFFFC000  }
0x34: {  	[tilespmem:s4], [sflag:$0x1] =	stream.linear.gather [hbm4b:s5+s4], $0x100, $0x38;
	[tilespmem:$0x10200] =	vst v63  }
0x35: {  	_ = 	snop  }
0x36: {  	[tilespmem:s7], [sflag:$0x2] =	stream.linear.gather [hbm4b:s6+s4], $0x100, $0x38;
	[tilespmem:$0x10200] =	vst v63  }
0x37: {  	_ =	swait.ge [sflag:s8], $0x100  }
0x38: {  	[sflag:s8] =	ssyncset.done $0x0  }
0x39: {  	[sflag:s8] =	ssyncadd.s32 $0xFFFFFF00  }
0x3a: {  	_ =	swait.ge [sflag:s9], $0x100  }
0x3b: {  	[sflag:s9] =	ssyncset.done $0x0  }
0x3c: {  	[sflag:s9] =	ssyncadd.s32 $0xFFFFFF00  }
0x3d: {  	[tilespmem:s11], [sflag:$0x1] =	stream.indirect.gather [hbm4b:s1+s10], $0x80, s4, s10, $0xb8;
	[tilespmem:$0x10200] =	vst v63  }
0x3e: {  	_ = 	snop  }
0x3f: {  	[tilespmem:s12], [sflag:$0x1] =	stream.indirect.gather [hbm4b:s1+s10], $0x80, s10, s10, $0xb8;
	[tilespmem:$0x10200] =	vst v63  }
0x40: {  	_ = 	snop  }
0x41: {  	[tilespmem:s13], [sflag:$0x2] =	stream.indirect.gather [hbm4b:s3+s10], $0x80, s7, s10, $0xb8;
	[tilespmem:$0x10200] =	vst v63  }
0x42: {  	_ = 	snop  }
0x43: {  	[tilespmem:s15], [sflag:$0x2] =	stream.indirect.gather [hbm4b:s3+s10], $0x80, s14, s10, $0xb8;
	[tilespmem:$0x10200] =	vst v63  }
0x44: {  	_ =	swait.ge [sflag:s8], $0x4000  }
0x45: {  	[sflag:s8] =	ssyncset.done $0x0  }
0x46: {  	[sflag:s8] =	ssyncadd.s32 $0xFFFFC000  }
0x47: {  	[hbm4b:s16+s4] =	stream.linear.scatter [tilespmem:s11], [sflag:$0x3], $0x4000, $0x38;
	[tilespmem:$0x10200] =	vst v63  }
0x48: {  	_ =	swait.ge [sflag:s8], $0x4000  }
0x49: {  	[sflag:s8] =	ssyncset.done $0x0  }
0x4a: {  	[sflag:s8] =	ssyncadd.s32 $0xFFFFC000  }
0x4b: {  	[hbm4b:s17+s4] =	stream.linear.scatter [tilespmem:s12], [sflag:$0x3], $0x4000, $0x38;
	[tilespmem:$0x10200] =	vst v63  }
0x4c: {  	_ =	swait.ge [sflag:s9], $0x4000  }
0x4d: {  	[sflag:s9] =	ssyncset.done $0x0  }
0x4e: {  	[sflag:s9] =	ssyncadd.s32 $0xFFFFC000  }
0x4f: {  	[hbm4b:s18+s4] =	stream.linear.scatter [tilespmem:s13], [sflag:$0x3], $0x4000, $0x38;
	[tilespmem:$0x10200] =	vst v63  }
0x50: {  	_ =	swait.ge [sflag:s9], $0x4000  }
0x51: {  	[sflag:s9] =	ssyncset.done $0x0  }
0x52: {  	[sflag:s9] =	ssyncadd.s32 $0xFFFFC000  }
0x53: {  	[hbm4b:s20+s4] =	stream.linear.scatter [tilespmem:s15], [sflag:$0x3], $0x4000, $0x38;
	[tilespmem:$0x10200] =	vst v63  }
0x54: {  	_ =	swait.ge [sflag:s19], $0x4000  }
0x55: {  	[sflag:s19] =	ssyncset.done $0x0  }
0x56: {  	[sflag:s19] =	ssyncadd.s32 $0xFFFFC000  }
0x57: {  	_ =	swait.ge [sflag:s19], $0x4000  }
0x58: {  	[sflag:s19] =	ssyncset.done $0x0  }
0x59: {  	[sflag:s19] =	ssyncadd.s32 $0xFFFFC000  }
.Ltmp1:
0x5a: {  	_ =	swait.ge [sflag:s19], $0x4000;
	(pc) =	sbr.rel @p0 .LBB2_1-.Ltmp1, $4  }
0x5b: {  	[sflag:s19] =	ssyncset.done $0x0  }
0x5c: {  	[sflag:s19] =	ssyncadd.s32 $0xFFFFC000  }
0x5d: {  	_ =	swait.ge [sflag:s19], $0x4000  }
0x5e: {  	[sflag:s19] =	ssyncset.done $0x0  }
.LBB2_2:
0x5f: {  	[sflag:s19] =	ssyncadd.s32 $0xFFFFC000  }
0x60: {  	_ =	sfence.sel $0x180000  }
0x61: {  	[bflag:$0x0] =	sbarrier.arrive $0xFFFF  }
0x62: {  	p0 =	sne.s32 s0, $0x0;
	_ =	strace $0x9000004A  }
0x63: {  	s0 =	sadd.s32 @!p0 $0x100000, s2;
	[bflag:$0x2] =	sbarrier.arrive $0xFFFF  }
0x64: {  	[sflag:s0] =	ssyncadd.tile.s32 @!p0 $0x1;
	_ =	shalt  }
.Lfunc_end2:
_tile_overlayer_lowered:
.L_overlay_start_2:
0x65: {  	(tag) =	ssettag $0x2  }
0x66: {  	s0 =	rddreg [dreg:$0x0];
	s2 =	stileid.u32  }
0x67: {  	s1 =	rddreg [dreg:$0x1];
	p0 =	sne.s32 s2, $0x0  }
0x68: {  	s3 =	rddreg [dreg:$0x2];
	[bflag:$0x3] =	sbarrier.arrive $0xFFFF;
	s2 =	simm.s32 @!p0 $0x1C04  }
0x69: {  	[timem:s3], [sflag:s2] =	dma.local @!p0 [hbm:s0], s1  }
0x6a: {  	s0 =	simm.s32 @!p0 $0x4  }
0x6b: {  	_ =	swait.ge @!p0 [sflag:s0], s1  }
0x6c: {  	s1 =	ssub.s32 @!p0 $0x0, s1;
	[sflag:s0] =	ssyncset.done @!p0 $0x0  }
0x6d: {  	[sflag:s0] =	ssyncadd.s32 @!p0 s1  }
0x6e: {  	[bflag:$0x3] =	sbarrier.arrive $0xFFFF  }
0x6f: {  	_ =	shalt  }

// kernel: kernel.9.cloned.1.call-start
scs
__scs_entry_jumppad:
0x0: {  	(pc) =	sbr.rel $0x88, $3  }
0x1: {  	(tag) =	ssettag $0x0;
	lr =	simm.s32 $0x1  }
0x2: {  	[smem:$0x3F97] =	sst lr;
	_ =	strace $0xD0000000  }
0x3: {  	_ = 	snop  }
0x4: {  	_ = 	snop  }
0x5: {  	_ = 	snop  }
0x6: {  	_ = 	snop  }
0x7: {  	_ = 	snop  }
__scs_overlays_trampoline_lowered:
0x8: {  	[smem:$0x3FA6] =	sst s0  }
0x9: {  	[smem:$0x3FA7] =	sst s1  }
0xa: {  	[smem:$0x3FA8] =	sst s2  }
0xb: {  	[smem:$0x3FA9] =	sst s3  }
0xc: {  	[smem:$0x3FAA] =	sst s4  }
0xd: {  	[smem:$0x3FAB] =	sst s5  }
0xe: {  	[smem:$0x3FAC] =	sst s6  }
0xf: {  	[smem:$0x3FAD] =	sst s7  }
0x10: {  	[smem:$0x3FAE] =	sst s8  }
0x11: {  	[smem:$0x3FAF] =	sst s9;
	s0 =	simm.s32 @!p0 $0x0  }
0x12: {  	s1 =	sld [smem:$0x3F95];
	s0 =	simm.s32 @p0 $0x1  }
0x13: {  	[smem:$0x3FB0] =	sst s0;
	s0 =	simm.s32 @!p1 $0x0  }
0x14: {  	s2 =	sld [smem:$0x3F94];
	s0 =	simm.s32 @p1 $0x1  }
0x15: {  	[smem:$0x3FB1] =	sst s0;
	s0 =	simm.s32 @!p2 $0x0  }
0x16: {  	s3 =	sld [smem:$0x3FDB];
	s0 =	simm.s32 @p2 $0x1  }
0x17: {  	s4 =	simm.s32 $0x1BF5;
	[smem:$0x3FB3] =	sst s0  }
0x18: {  	s0 =	sld [smem:$0x3F96];
	_ =	swait.ge [sflag:s4], $0x0  }
0x19: {  	s7 =	sld [smem:$0x3F97]  }
0x1a: {  	s8 =	sadd.s32 $0xFFFFE003, lr  }
0x1b: {  	s9 =	sadd.s32 $0xFFFFFEF7, lr;
	s5 =	simm.s32 $0xFFFFFFFF;
	p2 =	slt.u32 s8, $0xFFFFF086  }
0x1c: {  	p1 =	slt.u32 s9, $0xF7A;
	s5 =	simm.s32 @!p2 $0x0  }
0x1d: {  	s5 =	simm.s32 @p1 $0x1;
	p0 =	seq.s32 s7, s2  }
0x1e: {  	s7 =	smul.u32 @!p0 $0xF7A, s2;
	p2 =	seq.s32 @!p0 s5, $0x0  }
0x1f: {  	s9 =	smul.u32 $0xF7A, s1;
	s8 =	simm.s32 @!p0 $0x1BF5;
	p2 =	por !p2, p0  }
0x20: {  	[sflag:s8] =	ssyncset.s32 @!p0 $0xFFFFF086;
	s6 =	sadd.s32 @!p0 s3, s7;
	s7 =	simm.s32 @!p0 $0x108  }
0x21: {  	s3 =	sadd.s32 s3, s9;
	s6 =	sadd.s32 @!p0 $0x88, s6;
	s7 =	simm.s32 @p2 $0x1082  }
0x22: {  	[simem:s7], [sflag:s8] =	dma.local @!p0 [hbm:s6], $0xF7A  }
0x23: {  	s9 =	sor.u32 $0xD0000000, s2;
	s6 =	simm.s32 $0x108;
	_ =	swait.ge @!p0 [sflag:s8], $0x0  }
0x24: {  	s3 =	sadd.s32 $0x88, s3;
	s6 =	simm.s32 @!p1 $0x1082;
	[sflag:s4] =	ssyncset.s32 $0xFFFFF086  }
0x25: {  	[simem:s6], [sflag:s4] =	dma.local [hbm:s3], $0xF7A  }
0x26: {  	[smem:$0x3F97] =	sst s1;
	(tag) =	ssettag s2;
	_ =	strace s9  }
0x27: {  	s1 =	sld [smem:$0x3FA7]  }
0x28: {  	s2 =	sld [smem:$0x3FA8]  }
0x29: {  	s4 =	sld [smem:$0x3FAA]  }
0x2a: {  	p0 =	seq.s32 s5, $0x0;
	s5 =	sld [smem:$0x3FAB]  }
0x2b: {  	s6 =	sld [smem:$0x3FAC]  }
0x2c: {  	s7 =	sld [smem:$0x3FAD]  }
0x2d: {  	s3 =	simm.s32 $0x108;
	s8 =	sld [smem:$0x3FAE]  }
0x2e: {  	s3 =	simm.s32 @!p0 $0x1082;
	s9 =	sld [smem:$0x3FAF]  }
0x2f: {  	lr =	sadd.s32 s0, s3;
	s0 =	sld [smem:$0x3FA6]  }
0x30: {  	s3 =	sld [smem:$0x3FA9]  }
0x31: {  	[smem:$0x3FB2] =	sst s10  }
0x32: {  	s10 =	sld [smem:$0x3FB0];
	_ =	sdelay $0x3  }
0x33: {  	p0 =	seq.s32 s10, $0x1;
	s10 =	sld [smem:$0x3FB2];
	_ =	sdelay $0x3  }
0x34: {  	[smem:$0x3FB2] =	sst s10  }
0x35: {  	s10 =	sld [smem:$0x3FB1];
	_ =	sdelay $0x3  }
0x36: {  	p1 =	seq.s32 s10, $0x1;
	s10 =	sld [smem:$0x3FB2];
	_ =	sdelay $0x3  }
0x37: {  	[smem:$0x3FB2] =	sst s10  }
0x38: {  	s10 =	sld [smem:$0x3FB3]  }
0x39: {  	_ = 	snop;
	(pc) =	sbr.ind lr, $3  }
0x3a: {  	_ = 	snop  }
0x3b: {  	_ = 	snop  }
0x3c: {  	p2 =	seq.s32 s10, $0x1;
	s10 =	sld [smem:$0x3FB2]  }
0x3d: {  	_ =	shalt  }
0x3e: {  	_ =	shalt  }
0x3f: {  	_ =	shalt  }
0x40: {  	_ =	shalt  }
0x41: {  	_ =	shalt  }
0x42: {  	_ =	shalt  }
0x43: {  	_ =	shalt  }
0x44: {  	_ =	shalt  }
0x45: {  	_ =	shalt  }
0x46: {  	_ =	shalt  }
0x47: {  	_ =	shalt  }
0x48: {  	_ =	shalt  }
0x49: {  	_ =	shalt  }
0x4a: {  	_ =	shalt  }
0x4b: {  	_ =	shalt  }
0x4c: {  	_ =	shalt  }
0x4d: {  	_ =	shalt  }
0x4e: {  	_ =	shalt  }
0x4f: {  	_ =	shalt  }
0x50: {  	_ =	shalt  }
0x51: {  	_ =	shalt  }
0x52: {  	_ =	shalt  }
0x53: {  	_ =	shalt  }
0x54: {  	_ =	shalt  }
0x55: {  	_ =	shalt  }
0x56: {  	_ =	shalt  }
0x57: {  	_ =	shalt  }
0x58: {  	_ =	shalt  }
0x59: {  	_ =	shalt  }
0x5a: {  	_ =	shalt  }
0x5b: {  	_ =	shalt  }
0x5c: {  	_ =	shalt  }
0x5d: {  	_ =	shalt  }
0x5e: {  	_ =	shalt  }
0x5f: {  	_ =	shalt  }
0x60: {  	_ =	shalt  }
0x61: {  	_ =	shalt  }
0x62: {  	_ =	shalt  }
0x63: {  	_ =	shalt  }
0x64: {  	_ =	shalt  }
0x65: {  	_ =	shalt  }
0x66: {  	_ =	shalt  }
0x67: {  	_ =	shalt  }
0x68: {  	_ =	shalt  }
0x69: {  	_ =	shalt  }
0x6a: {  	_ =	shalt  }
0x6b: {  	_ =	shalt  }
0x6c: {  	_ =	shalt  }
0x6d: {  	_ =	shalt  }
0x6e: {  	_ =	shalt  }
0x6f: {  	_ =	shalt  }
0x70: {  	_ =	shalt  }
0x71: {  	_ =	shalt  }
0x72: {  	_ =	shalt  }
0x73: {  	_ =	shalt  }
0x74: {  	_ =	shalt  }
0x75: {  	_ =	shalt  }
0x76: {  	_ =	shalt  }
0x77: {  	_ =	shalt  }
0x78: {  	_ =	shalt  }
0x79: {  	_ =	shalt  }
0x7a: {  	_ =	shalt  }
0x7b: {  	_ =	shalt  }
0x7c: {  	_ =	shalt  }
0x7d: {  	_ =	shalt  }
0x7e: {  	_ =	shalt  }
0x7f: {  	_ =	shalt  }
0x80: {  	_ =	shalt  }
0x81: {  	_ =	shalt  }
0x82: {  	_ =	shalt  }
0x83: {  	_ =	shalt  }
0x84: {  	_ =	shalt  }
0x85: {  	_ =	shalt  }
0x86: {  	_ =	shalt  }
0x87: {  	_ =	shalt  }
.Lfunc_end0:
.L_simem_size_0:
called_computation.1_lowered:
.L_overlay_start_0:
0x88: {  	s2 =	sld [smem:$0x3FD9]  }
0x89: {  	s3 =	sld [smem:$0x3FFE];
	_ =	sdelay $0x1  }
0x8a: {  	s1 =	srdreg.scid  }
0x8b: {  	s0 =	sand.u32 $0x1, s1  }
0x8c: {  	s17 =	sshll.u32 s0, $0xA;
	s2 =	sadd.s32 s3, s2  }
0x8d: {  	s2 =	sadd.s32 s2, s17  }
0x8e: {  	[smem:$0x3FBE] =	sst s2  }
0x8f: {  	_ = 	snop  }
0x90: {  	s2 =	sld [smem:$0x3FC9]  }
0x91: {  	s18 =	sld [smem:$0x3FC8]  }
0x92: {  	s4 =	sld [smem:$0x3FC7]  }
0x93: {  	s5 =	sld [smem:$0x3FC6];
	(tm) =	ssettm $0x1  }
0x94: {  	s6 =	sld [smem:$0x3FFB];
	_ =	sdelay $0x3  }
0x95: {  	_ =	strace s6  }
0x96: {  	s6 =	sld [smem:$0x3FFC];
	_ =	sdelay $0x3  }
0x97: {  	_ =	strace s6  }
0x98: {  	s6 =	sld [smem:$0x3FFD];
	_ =	sdelay $0x3  }
0x99: {  	_ =	strace s6  }
0x9a: {  	_ =	strace $0x8FFFFFFF  }
0x9b: {  	s19 =	sld [smem:$0x3FDB];
	_ =	sdelay $0x1  }
0x9c: {  	s7 =	simm.s32 $_scs_section_size  }
0x9d: {  	s8 =	simm.s32 $_size__tile_overlayer_lowered;
	s9 =	simm.s32 $_tile_overlayer_lowered  }
0x9e: {  	s22 =	simm.s32 $0x1BFF;
	s21 =	sshll.u32 s9, $0x1;
	s6 =	sadd.s32 s7, s19  }
0x9f: {  	s10 =	simm.s32 $0x0;
	s20 =	sshll.u32 s8, $0x1;
	s8 =	sadd.s32 s21, s6  }
0xa0: {  	[timem:s10], [sflag:s22] =	dma.local [hbm:s8], s20  }
0xa1: {  	_ =	swait.ge [sflag:s22], s20  }
0xa2: {  	s7 =	ssub.s32 $0x0, s20;
	[sflag:s22] =	ssyncset.done $0x0  }
0xa3: {  	[sflag:s22] =	ssyncadd.s32 s7;
	_ =	sdelay $0x1  }
0xa4: {  	s23 =	simm.s32 $0x1B8B  }
0xa5: {  	_ =	swait.ge [sflag:s23], $0x1  }
0xa6: {  	[sflag:s23] =	ssyncset.done $0x0  }
0xa7: {  	s25 =	simm.s32 $0x1B8E;
	s24 =	sld [smem:$0x3FFE];
	[sflag:s23] =	ssyncadd.s32 $0xFFFFFFFF  }
0xa8: {  	s26 =	simm.s32 $execute0_lowered;
	[smem:$0x3FD2] =	sst s25  }
0xa9: {  	s8 =	sshll.u32 s26, $0x1;
	_ =	strace $0x80000046;
	[dreg:$0x1] =	wrdreg $0xFFFFFFFF  }
0xaa: {  	s28 =	simm.s32 $_size_execute0_lowered;
	s6 =	sadd.s32 s6, s8;
	[dreg:$0x0] =	wrdreg $0x0  }
0xab: {  	s8 =	sshll.u32 s28, $0x1;
	[dreg:$0x2] =	wrdreg s6  }
0xac: {  	[dreg:$0x3] =	wrdreg s8  }
0xad: {  	[dreg:$0x4] =	wrdreg $0xC0  }
0xae: {  	_ =	task [dreg:s10], $0x5FFFF  }
0xaf: {  	[dreg:$0x1] =	wrdreg $0xFFFFFFFF  }
0xb0: {  	[dreg:$0x0] =	wrdreg $0x60  }
0xb1: {  	[dreg:$0x2] =	wrdreg s2  }
0xb2: {  	[dreg:$0x3] =	wrdreg s18  }
0xb3: {  	[dreg:$0x4] =	wrdreg s4  }
0xb4: {  	[dreg:$0x5] =	wrdreg s5  }
0xb5: {  	[dreg:$0x6] =	wrdreg s24  }
0xb6: {  	[dreg:$0x7] =	wrdreg $0xA  }
0xb7: {  	_ =	task.clear_ibuf [dreg:s10], $0x8FFFF;
	_ =	strace $0x90000046  }
0xb8: {  	s29 =	simm.s32 $0xA;
	_ =	strace $0x80000048  }
0xb9: {  	_ =	swait.ge [sflag:s29], $0x1  }
0xba: {  	[sflag:s29] =	ssyncadd.s32 $0xFFFFFFFF  }
0xbb: {  	_ =	strace $0x90000048  }
0xbc: {  	_ =	sfence  }
0xbd: {  	s30 =	sld [smem:$0x0];
	_ =	sdelay $0x2  }
0xbe: {  	s31 =	sshll.u32 s1, $0xD;
	s1 =	sshrl.u32 s1, $0x2  }
0xbf: {  	s3 =	sand.u32 $0x4000, s31;
	s1 =	sadd.s32 s1, s30  }
0xc0: {  	s0 =	sor.u32 s3, s0;
	s1 =	sshll.u32 s1, $0x11  }
0xc1: {  	s0 =	sor.u32 s1, s0  }
0xc2: {  	s0 =	sadd.s32 $0x8F2B, s0  }
0xc3: {  	[sflag:s0] =	ssyncadd.remote.s32 $0x1  }
0xc4: {  	_ =	sfence.sel $0xFFFF  }
0xc5: {  	[dreg:$0x0] =	wrdreg $0xFFFFFFFF;
	(pc) =	sbr.abs _section_cstart, $3  }
0xc6: {  	[dreg:$0x1] =	wrdreg $0xFFFFFFFF  }
0xc7: {  	_ =	task.clear_ibuf [dreg:s10], $0x2FFFF;
	_ =	strace $0x9FFFFFFF  }
0xc8: {  	(tm) =	ssettm $0x7FFFFFFF  }
0xc9: {  	_ =	shalt  }
tec
execute0_lowered:
.L_overlay_start_1:
0x0: {  	(tag) =	ssettag $0x1  }
0x1: {  	s5 =	rddreg [dreg:$0x0];
	s2 =	srdreg.scid  }
0x2: {  	s6 =	rddreg [dreg:$0x1];
	s0 =	stileid.u32;
	s21 =	sand.u32 $0x1, s2  }
0x3: {  	s1 =	rddreg [dreg:$0x2];
	s30 =	sshll.u32 s0, $0x9;
	s4 =	sshll.u32 s21, $0x8  }
0x4: {  	s3 =	rddreg [dreg:$0x3];
	s16 =	sor.u32 s4, s30  }
0x5: {  	s18 =	rddreg [dreg:$0x4];
	s4 =	simm.s32 $0x0;
	s7 =	sshrl.u32 s16, $0x3  }
0x6: {  	[smem:$0x7FF] =	sst s4;
	s7 =	sor.u32 $0x400, s7  }
0x7: {  	s2 =	rddreg [dreg:$0x5];
	_ =	strace $0x80000047;
	s5 =	sadd.s32 s5, s7  }
0x8: {  	[tilespmem:s4], [sflag:$0x1] =	stream.linear.gather [hbm4b:s5+s4], $0x100, $0x38;
	[tilespmem:$0x10200] =	vst v63  }
0x9: {  	s8 =	simm.s32 $0x1;
	s6 =	sadd.s32 s6, s7;
	s7 =	simm.s32 $0x100  }
0xa: {  	[tilespmem:s7], [sflag:$0x2] =	stream.linear.gather [hbm4b:s6+s4], $0x100, $0x38;
	[tilespmem:$0x10200] =	vst v63  }
0xb: {  	_ =	swait.ge [sflag:s8], $0x100  }
0xc: {  	[sflag:s8] =	ssyncset.done $0x0  }
0xd: {  	s9 =	simm.s32 $0x2;
	[sflag:s8] =	ssyncadd.s32 $0xFFFFFF00  }
0xe: {  	_ =	swait.ge [sflag:s9], $0x100  }
0xf: {  	[sflag:s9] =	ssyncset.done $0x0  }
0x10: {  	s10 =	simm.s32 $0x80;
	s11 =	simm.s32 $0x200;
	[sflag:s9] =	ssyncadd.s32 $0xFFFFFF00  }
0x11: {  	[tilespmem:s11], [sflag:$0x1] =	stream.indirect.gather [hbm4b:s1+s10], $0x80, s4, s10, $0xb8;
	[tilespmem:$0x10200] =	vst v63  }
0x12: {  	s12 =	simm.s32 $0x4200  }
0x13: {  	[tilespmem:s12], [sflag:$0x1] =	stream.indirect.gather [hbm4b:s1+s10], $0x80, s10, s10, $0xb8;
	[tilespmem:$0x10200] =	vst v63  }
0x14: {  	s13 =	simm.s32 $0x8200  }
0x15: {  	[tilespmem:s13], [sflag:$0x2] =	stream.indirect.gather [hbm4b:s3+s10], $0x80, s7, s10, $0xb8;
	[tilespmem:$0x10200] =	vst v63  }
0x16: {  	s14 =	simm.s32 $0x180;
	s15 =	simm.s32 $0xC200  }
0x17: {  	[tilespmem:s15], [sflag:$0x2] =	stream.indirect.gather [hbm4b:s3+s10], $0x80, s14, s10, $0xb8;
	[tilespmem:$0x10200] =	vst v63  }
0x18: {  	_ =	swait.ge [sflag:s8], $0x4000  }
0x19: {  	s17 =	sadd.s32 $0x2200, s18;
	s19 =	sshll.u32 s16, $0x4;
	[sflag:s8] =	ssyncset.done $0x0  }
0x1a: {  	s16 =	sadd.s32 s17, s19;
	[sflag:s8] =	ssyncadd.s32 $0xFFFFC000  }
0x1b: {  	[hbm4b:s16+s4] =	stream.linear.scatter [tilespmem:s11], [sflag:$0x3], $0x4000, $0x38;
	[tilespmem:$0x10200] =	vst v63  }
0x1c: {  	_ =	swait.ge [sflag:s8], $0x4000  }
0x1d: {  	s20 =	sor.u32 $0x800, s19;
	[sflag:s8] =	ssyncset.done $0x0  }
0x1e: {  	s17 =	sadd.s32 s17, s20;
	[sflag:s8] =	ssyncadd.s32 $0xFFFFC000  }
0x1f: {  	[hbm4b:s17+s4] =	stream.linear.scatter [tilespmem:s12], [sflag:$0x3], $0x4000, $0x38;
	[tilespmem:$0x10200] =	vst v63  }
0x20: {  	_ =	swait.ge [sflag:s9], $0x4000  }
0x21: {  	s22 =	sadd.s32 $0x22200, s18;
	[sflag:s9] =	ssyncset.done $0x0  }
0x22: {  	s18 =	sadd.s32 s22, s19;
	[sflag:s9] =	ssyncadd.s32 $0xFFFFC000  }
0x23: {  	[hbm4b:s18+s4] =	stream.linear.scatter [tilespmem:s13], [sflag:$0x3], $0x4000, $0x38;
	[tilespmem:$0x10200] =	vst v63  }
0x24: {  	_ =	swait.ge [sflag:s9], $0x4000  }
0x25: {  	[sflag:s9] =	ssyncset.done $0x0  }
0x26: {  	s19 =	simm.s32 $0x3;
	s20 =	sadd.s32 s22, s20;
	[sflag:s9] =	ssyncadd.s32 $0xFFFFC000  }
0x27: {  	[hbm4b:s20+s4] =	stream.linear.scatter [tilespmem:s15], [sflag:$0x3], $0x4000, $0x38;
	[tilespmem:$0x10200] =	vst v63  }
0x28: {  	_ =	swait.ge [sflag:s19], $0x4000  }
0x29: {  	s21 =	ssub.s32 $0x2, s21;
	[sflag:s19] =	ssyncset.done $0x0  }
0x2a: {  	s31 =	sshrl.u32 s21, $0x1;
	[sflag:s19] =	ssyncadd.s32 $0xFFFFC000  }
0x2b: {  	s21 =	ssub.s32 s21, s31;
	_ =	swait.ge [sflag:s19], $0x4000  }
0x2c: {  	s21 =	smax.u32 s21, $0x1;
	[sflag:s19] =	ssyncset.done $0x0  }
0x2d: {  	p0 =	sne.s32 s21, $0x1;
	[sflag:s19] =	ssyncadd.s32 $0xFFFFC000  }
.Ltmp0:
0x2e: {  	_ =	swait.ge [sflag:s19], $0x4000;
	(pc) =	sbr.rel @!p0 .LBB2_2-.Ltmp0, $4  }
0x2f: {  	[sflag:s19] =	ssyncset.done $0x0  }
0x30: {  	[sflag:s19] =	ssyncadd.s32 $0xFFFFC000  }
0x31: {  	_ =	swait.ge [sflag:s19], $0x4000  }
0x32: {  	s21 =	sadd.s32 $0xFFFFFFFF, s21;
	[sflag:s19] =	ssyncset.done $0x0  }
.LBB2_1:
0x33: {  	p0 =	sne.s32 s21, $0x1;
	s21 =	sadd.s32 $0xFFFFFFFF, s21;
	[sflag:s19] =	ssyncadd.s32 $0xFFFFC000  }
0x34: {  	[tilespmem:s4], [sflag:$0x1] =	stream.linear.gather [hbm4b:s5+s4], $0x100, $0x38;
	[tilespmem:$0x10200] =	vst v63  }
0x35: {  	_ = 	snop  }
0x36: {  	[tilespmem:s7], [sflag:$0x2] =	stream.linear.gather [hbm4b:s6+s4], $0x100, $0x38;
	[tilespmem:$0x10200] =	vst v63  }
0x37: {  	_ =	swait.ge [sflag:s8], $0x100  }
0x38: {  	[sflag:s8] =	ssyncset.done $0x0  }
0x39: {  	[sflag:s8] =	ssyncadd.s32 $0xFFFFFF00  }
0x3a: {  	_ =	swait.ge [sflag:s9], $0x100  }
0x3b: {  	[sflag:s9] =	ssyncset.done $0x0  }
0x3c: {  	[sflag:s9] =	ssyncadd.s32 $0xFFFFFF00  }
0x3d: {  	[tilespmem:s11], [sflag:$0x1] =	stream.indirect.gather [hbm4b:s1+s10], $0x80, s4, s10, $0xb8;
	[tilespmem:$0x10200] =	vst v63  }
0x3e: {  	_ = 	snop  }
0x3f: {  	[tilespmem:s12], [sflag:$0x1] =	stream.indirect.gather [hbm4b:s1+s10], $0x80, s10, s10, $0xb8;
	[tilespmem:$0x10200] =	vst v63  }
0x40: {  	_ = 	snop  }
0x41: {  	[tilespmem:s13], [sflag:$0x2] =	stream.indirect.gather [hbm4b:s3+s10], $0x80, s7, s10, $0xb8;
	[tilespmem:$0x10200] =	vst v63  }
0x42: {  	_ = 	snop  }
0x43: {  	[tilespmem:s15], [sflag:$0x2] =	stream.indirect.gather [hbm4b:s3+s10], $0x80, s14, s10, $0xb8;
	[tilespmem:$0x10200] =	vst v63  }
0x44: {  	_ =	swait.ge [sflag:s8], $0x4000  }
0x45: {  	[sflag:s8] =	ssyncset.done $0x0  }
0x46: {  	[sflag:s8] =	ssyncadd.s32 $0xFFFFC000  }
0x47: {  	[hbm4b:s16+s4] =	stream.linear.scatter [tilespmem:s11], [sflag:$0x3], $0x4000, $0x38;
	[tilespmem:$0x10200] =	vst v63  }
0x48: {  	_ =	swait.ge [sflag:s8], $0x4000  }
0x49: {  	[sflag:s8] =	ssyncset.done $0x0  }
0x4a: {  	[sflag:s8] =	ssyncadd.s32 $0xFFFFC000  }
0x4b: {  	[hbm4b:s17+s4] =	stream.linear.scatter [tilespmem:s12], [sflag:$0x3], $0x4000, $0x38;
	[tilespmem:$0x10200] =	vst v63  }
0x4c: {  	_ =	swait.ge [sflag:s9], $0x4000  }
0x4d: {  	[sflag:s9] =	ssyncset.done $0x0  }
0x4e: {  	[sflag:s9] =	ssyncadd.s32 $0xFFFFC000  }
0x4f: {  	[hbm4b:s18+s4] =	stream.linear.scatter [tilespmem:s13], [sflag:$0x3], $0x4000, $0x38;
	[tilespmem:$0x10200] =	vst v63  }
0x50: {  	_ =	swait.ge [sflag:s9], $0x4000  }
0x51: {  	[sflag:s9] =	ssyncset.done $0x0  }
0x52: {  	[sflag:s9] =	ssyncadd.s32 $0xFFFFC000  }
0x53: {  	[hbm4b:s20+s4] =	stream.linear.scatter [tilespmem:s15], [sflag:$0x3], $0x4000, $0x38;
	[tilespmem:$0x10200] =	vst v63  }
0x54: {  	_ =	swait.ge [sflag:s19], $0x4000  }
0x55: {  	[sflag:s19] =	ssyncset.done $0x0  }
0x56: {  	[sflag:s19] =	ssyncadd.s32 $0xFFFFC000  }
0x57: {  	_ =	swait.ge [sflag:s19], $0x4000  }
0x58: {  	[sflag:s19] =	ssyncset.done $0x0  }
0x59: {  	[sflag:s19] =	ssyncadd.s32 $0xFFFFC000  }
.Ltmp1:
0x5a: {  	_ =	swait.ge [sflag:s19], $0x4000;
	(pc) =	sbr.rel @p0 .LBB2_1-.Ltmp1, $4  }
0x5b: {  	[sflag:s19] =	ssyncset.done $0x0  }
0x5c: {  	[sflag:s19] =	ssyncadd.s32 $0xFFFFC000  }
0x5d: {  	_ =	swait.ge [sflag:s19], $0x4000  }
0x5e: {  	[sflag:s19] =	ssyncset.done $0x0  }
.LBB2_2:
0x5f: {  	[sflag:s19] =	ssyncadd.s32 $0xFFFFC000  }
0x60: {  	_ =	sfence.sel $0x180000  }
0x61: {  	[bflag:$0x0] =	sbarrier.arrive $0xFFFF  }
0x62: {  	p0 =	sne.s32 s0, $0x0;
	_ =	strace $0x90000047  }
0x63: {  	s0 =	sadd.s32 @!p0 $0x100000, s2;
	[bflag:$0x2] =	sbarrier.arrive $0xFFFF  }
0x64: {  	[sflag:s0] =	ssyncadd.tile.s32 @!p0 $0x1;
	_ =	shalt  }
.Lfunc_end2:
_tile_overlayer_lowered:
.L_overlay_start_2:
0x65: {  	(tag) =	ssettag $0x2  }
0x66: {  	s0 =	rddreg [dreg:$0x0];
	s2 =	stileid.u32  }
0x67: {  	s1 =	rddreg [dreg:$0x1];
	p0 =	sne.s32 s2, $0x0  }
0x68: {  	s3 =	rddreg [dreg:$0x2];
	[bflag:$0x3] =	sbarrier.arrive $0xFFFF;
	s2 =	simm.s32 @!p0 $0x1C04  }
0x69: {  	[timem:s3], [sflag:s2] =	dma.local @!p0 [hbm:s0], s1  }
0x6a: {  	s0 =	simm.s32 @!p0 $0x4  }
0x6b: {  	_ =	swait.ge @!p0 [sflag:s0], s1  }
0x6c: {  	s1 =	ssub.s32 @!p0 $0x0, s1;
	[sflag:s0] =	ssyncset.done @!p0 $0x0  }
0x6d: {  	[sflag:s0] =	ssyncadd.s32 @!p0 s1  }
0x6e: {  	[bflag:$0x3] =	sbarrier.arrive $0xFFFF  }
0x6f: {  	_ =	shalt  }

</sc_bundles>
